<compile_context>
chip_gen: v7x
topology: tpu7x:2x2x1
jax: 0.10.2.dev20260603
libtpu: 0.0.44.dev20260713+nightly
codegen_flags: <defaults>
</compile_context>

<pallas_src>
import functools

import jax
import jax.numpy as jnp
from jax import lax
from jax.experimental import pallas as pl
from jax.experimental.pallas import tpu as pltpu
from jax.experimental.pallas import tpu_sc as plsc

_D_BYTE = 256
_D_FAM = 128
_D_MIC = 128
_DIM = _D_BYTE + _D_FAM + _D_MIC
_BATCH = 4
_SEQ = 8192
_B_TOTAL = _BATCH * _SEQ

_NC = 2
_NS = 16
_NW = _NC * _NS
_B_PER_W = _B_TOTAL // _NW
_CHUNK = 32
_N_CHUNKS = _B_PER_W // _CHUNK
_NBUF = 3
_L = 16

_mesh = plsc.VectorSubcoreMesh(core_axis_name="c", subcore_axis_name="s")


@functools.partial(
    pl.kernel,
    mesh=_mesh,
    out_type=jax.ShapeDtypeStruct((_B_TOTAL, _DIM), jnp.float32),
    scratch_types=[
        pltpu.VMEM((_B_PER_W + _L,), jnp.int32),
        pltpu.VMEM((256, _D_BYTE), jnp.float32),
        pltpu.VMEM((4, _D_FAM), jnp.float32),
        pltpu.VMEM((64, _D_MIC), jnp.float32),
        pltpu.VMEM((_NBUF * _CHUNK, _DIM), jnp.float32),
        pltpu.SemaphoreType.DMA,
    ],
)
def _lookup_concat(packed_hbm, bt_hbm, ft_hbm, mt_hbm, out_hbm,
                   idx_v, bt_v, ft_v, mt_v, rows, wsem):
    wid = lax.axis_index("s") * _NC + lax.axis_index("c")
    base0 = wid * _B_PER_W

    pltpu.sync_copy(bt_hbm, bt_v)
    pltpu.sync_copy(ft_hbm, ft_v)
    pltpu.sync_copy(mt_hbm, mt_v)
    pltpu.sync_copy(packed_hbm.at[pl.ds(base0, _B_PER_W)], idx_v.at[pl.ds(0, _B_PER_W)])

    def fill_rows(i):
        slot = lax.rem(i, _NBUF) * _CHUNK

        @plsc.parallel_loop(0, _CHUNK, unroll=8)
        def _row(j):
            pvec = idx_v[pl.ds(i * _CHUNK + j, _L)]
            p = pvec[0]
            rb = p & 255
            rf = (p >> 8) & 255
            rm = p >> 16
            row = slot + j
            for k in range(_D_BYTE // _L):
                rows[row, pl.ds(k * _L, _L)] = bt_v[rb, pl.ds(k * _L, _L)]
            for k in range(_D_FAM // _L):
                rows[row, pl.ds(_D_BYTE + k * _L, _L)] = ft_v[rf, pl.ds(k * _L, _L)]
            for k in range(_D_MIC // _L):
                rows[row, pl.ds(_D_BYTE + _D_FAM + k * _L, _L)] = mt_v[rm, pl.ds(k * _L, _L)]

    def write_desc(i):
        slot = lax.rem(i, _NBUF) * _CHUNK
        return pltpu.make_async_copy(
            rows.at[pl.ds(slot, _CHUNK), :],
            out_hbm.at[pl.ds(base0 + i * _CHUNK, _CHUNK), :], wsem)

    def body(i, carry):
        @pl.when(i >= _NBUF)
        def _():
            write_desc(0).wait()
        fill_rows(i)
        write_desc(i).start()
        return carry

    lax.fori_loop(0, _N_CHUNKS, body, 0)

    for _ in range(_NBUF):
        write_desc(0).wait()


def kernel(input_ids, families, micro_refs, byte_table, family_table, micro_table):
    packed = (input_ids.astype(jnp.int32)
              | (families.astype(jnp.int32) << 8)
              | (micro_refs.astype(jnp.int32) << 16)).reshape(_B_TOTAL)
    out = _lookup_concat(packed, byte_table, family_table, micro_table)
    return out.reshape(_BATCH, _SEQ, _DIM)

# --- scband reference (transcript-rebuilt; emitter-appended) ---
"""Pipeline reference for scband-byte-layer1-1314259993043 (READ-ONLY COPY).

The authoritative reference and input builder live on the scoring server;
editing this copy changes nothing except your own understanding.
"""

import jax, jax.numpy as jnp
import numpy as np

DIM = 512

def setup_inputs(seed: int = 0) -> dict:
    key = jax.random.key(seed)
    k1, k2, k3, k4, k5, k6 = jax.random.split(key, 6)
    input_ids = jax.random.randint(k1, (4, 8192), 0, 256, dtype=jnp.int64 if jax.config.jax_enable_x64 else jnp.int32)
    families = jax.random.randint(k2, (4, 8192), 0, 4, dtype=jnp.int32)
    micro_refs = jax.random.randint(k3, (4, 8192), 0, 64, dtype=jnp.int32)
    byte_table = jax.random.normal(k4, (256, DIM // 2), dtype=jnp.float32)
    family_table = jax.random.normal(k5, (4, DIM // 4), dtype=jnp.float32)
    micro_table = jax.random.normal(k6, (64, DIM // 4), dtype=jnp.float32)
    return {
        "input_ids": input_ids,
        "families": families,
        "micro_refs": micro_refs,
        "byte_table": byte_table,
        "family_table": family_table,
        "micro_table": micro_table,
    }

def reference(input_ids, families, micro_refs, byte_table, family_table, micro_table):
    a = jnp.take(byte_table, jnp.clip(input_ids, 0, 255), axis=0)
    b = jnp.take(family_table, jnp.clip(families, 0, 3), axis=0)
    c = jnp.take(micro_table, jnp.clip(micro_refs, 0, 63), axis=0)
    return jnp.concatenate([a, b, c], axis=-1)

if __name__ == "__main__":
    import jax
    _d = setup_inputs()
    print(jax.jit(kernel)(*tuple(_d.values())))

</pallas_src>

<mosaic_0001>
#map = affine_map<(d0, d1) -> (0)>
#map1 = affine_map<(d0, d1) -> (0, 0)>
module attributes {stable_mosaic.version = 14 : i64} {
  func.func @_lookup_concat(%arg0: i32, %arg1: i32, %arg2: memref<32768xi32, #tpu.memory_space<hbm>>, %arg3: memref<256x256xf32, #tpu.memory_space<hbm>>, %arg4: memref<4x128xf32, #tpu.memory_space<hbm>>, %arg5: memref<64x128xf32, #tpu.memory_space<hbm>>, %arg6: memref<32768x512xf32, #tpu.memory_space<hbm>>, %arg7: memref<1040xi32, #tpu.memory_space<vmem>>, %arg8: memref<256x256xf32, #tpu.memory_space<vmem>>, %arg9: memref<4x128xf32, #tpu.memory_space<vmem>>, %arg10: memref<64x128xf32, #tpu.memory_space<vmem>>, %arg11: memref<96x512xf32, #tpu.memory_space<vmem>>, %arg12: memref<!tpu.dma_semaphore, #tpu.memory_space<semaphore_mem>>) attributes {dimension_semantics = [#tpu.dimension_semantics<core_parallel>, #tpu.dimension_semantics<subcore_parallel>], iteration_bounds = array<i64: 2, 16>, scalar_prefetch = 0 : i64, scratch_operands = 6 : i64, tpu.core_type = #tpu.core_type<sc_vector_subcore>, window_params = [{transform_indices = #map}, {transform_indices = #map1}, {transform_indices = #map1}, {transform_indices = #map1}, {transform_indices = #map1}]} {
    %mul3A = arith.constant 2 : i32
    %mul3A_0 = arith.muli %arg1, %mul3A : i32
    %add3A = arith.addi %mul3A_0, %arg0 : i32
    %mul3A_1 = arith.constant 1024 : i32
    %mul3A_2 = arith.muli %add3A, %mul3A_1 : i32
    "tpu.region"() ({
      %run_scoped3A = tpu.sem_alloc : memref<!tpu.dma_semaphore, #tpu.memory_space<semaphore_mem>>
      tpu.enqueue_dma source(%arg3 : memref<256x256xf32, #tpu.memory_space<hbm>>) target(%arg8 : memref<256x256xf32, #tpu.memory_space<vmem>>) target_semaphore(%run_scoped3A : memref<!tpu.dma_semaphore, #tpu.memory_space<semaphore_mem>>)
      tpu.wait_dma2 semaphore(%run_scoped3A : memref<!tpu.dma_semaphore, #tpu.memory_space<semaphore_mem>>) src(%arg3 : memref<256x256xf32, #tpu.memory_space<hbm>>) dst(%arg8 : memref<256x256xf32, #tpu.memory_space<vmem>>)
      tpu.yield
    }) : () -> ()
    "tpu.region"() ({
      %run_scoped3A = tpu.sem_alloc : memref<!tpu.dma_semaphore, #tpu.memory_space<semaphore_mem>>
      tpu.enqueue_dma source(%arg4 : memref<4x128xf32, #tpu.memory_space<hbm>>) target(%arg9 : memref<4x128xf32, #tpu.memory_space<vmem>>) target_semaphore(%run_scoped3A : memref<!tpu.dma_semaphore, #tpu.memory_space<semaphore_mem>>)
      tpu.wait_dma2 semaphore(%run_scoped3A : memref<!tpu.dma_semaphore, #tpu.memory_space<semaphore_mem>>) src(%arg4 : memref<4x128xf32, #tpu.memory_space<hbm>>) dst(%arg9 : memref<4x128xf32, #tpu.memory_space<vmem>>)
      tpu.yield
    }) : () -> ()
    "tpu.region"() ({
      %run_scoped3A = tpu.sem_alloc : memref<!tpu.dma_semaphore, #tpu.memory_space<semaphore_mem>>
      tpu.enqueue_dma source(%arg5 : memref<64x128xf32, #tpu.memory_space<hbm>>) target(%arg10 : memref<64x128xf32, #tpu.memory_space<vmem>>) target_semaphore(%run_scoped3A : memref<!tpu.dma_semaphore, #tpu.memory_space<semaphore_mem>>)
      tpu.wait_dma2 semaphore(%run_scoped3A : memref<!tpu.dma_semaphore, #tpu.memory_space<semaphore_mem>>) src(%arg5 : memref<64x128xf32, #tpu.memory_space<hbm>>) dst(%arg10 : memref<64x128xf32, #tpu.memory_space<vmem>>)
      tpu.yield
    }) : () -> ()
    "tpu.region"() ({
      %run_scoped3A = tpu.sem_alloc : memref<!tpu.dma_semaphore, #tpu.memory_space<semaphore_mem>>
      %dma_start3A = arith.constant 0 : i32
      %dma_start3A_51 = tpu.memref_slice %arg7[%dma_start3A] : memref<1040xi32, #tpu.memory_space<vmem>> -> memref<1024xi32, #tpu.memory_space<vmem>>
      %dma_start3A_52 = tpu.memref_slice %arg2[%mul3A_2] : memref<32768xi32, #tpu.memory_space<hbm>> -> memref<1024xi32, #tpu.memory_space<hbm>>
      %dma_start3A_53 = arith.constant 0 : i32
      %dma_start3A_54 = tpu.memref_slice %arg7[%dma_start3A_53] : memref<1040xi32, #tpu.memory_space<vmem>> -> memref<1024xi32, #tpu.memory_space<vmem>>
      %dma_start3A_55 = tpu.memref_slice %arg2[%mul3A_2] : memref<32768xi32, #tpu.memory_space<hbm>> -> memref<1024xi32, #tpu.memory_space<hbm>>
      tpu.enqueue_dma source(%dma_start3A_55 : memref<1024xi32, #tpu.memory_space<hbm>>) target(%dma_start3A_54 : memref<1024xi32, #tpu.memory_space<vmem>>) target_semaphore(%run_scoped3A : memref<!tpu.dma_semaphore, #tpu.memory_space<semaphore_mem>>)
      %dma_wait3A_56 = arith.constant 0 : i32
      %dma_wait3A_57 = tpu.memref_slice %arg7[%dma_wait3A_56] : memref<1040xi32, #tpu.memory_space<vmem>> -> memref<1024xi32, #tpu.memory_space<vmem>>
      %dma_wait3A_58 = tpu.memref_slice %arg2[%mul3A_2] : memref<32768xi32, #tpu.memory_space<hbm>> -> memref<1024xi32, #tpu.memory_space<hbm>>
      %dma_wait3A_59 = arith.constant 0 : i32
      %dma_wait3A_60 = tpu.memref_slice %arg7[%dma_wait3A_59] : memref<1040xi32, #tpu.memory_space<vmem>> -> memref<1024xi32, #tpu.memory_space<vmem>>
      %dma_wait3A_61 = tpu.memref_slice %arg2[%mul3A_2] : memref<32768xi32, #tpu.memory_space<hbm>> -> memref<1024xi32, #tpu.memory_space<hbm>>
      tpu.wait_dma2 semaphore(%run_scoped3A : memref<!tpu.dma_semaphore, #tpu.memory_space<semaphore_mem>>) src(%dma_wait3A_61 : memref<1024xi32, #tpu.memory_space<hbm>>) dst(%dma_wait3A_60 : memref<1024xi32, #tpu.memory_space<vmem>>)
      tpu.yield
    }) : () -> ()
    %scan3A = arith.constant 0 : i32
    %scan3A_3 = arith.constant 0 : i32
    %scan3A_4 = arith.constant 32 : i32
    %scan3A_5 = arith.addi %scan3A_3, %scan3A_4 : i32
    %scan3A_6 = arith.constant 1 : i32
    scf.for %scan3A_51 = %scan3A_3 to %scan3A_5 step %scan3A_6  : i32 {
      %ge3A = arith.constant 3 : i32
      %ge3A_52 = arith.cmpi sge, %scan3A_51, %ge3A : i32
      %convert_element_type3A = arith.extui %ge3A_52 : i1 to i32
      %cond3A = arith.constant 0 : i32
      %cond3A_53 = arith.cmpi ne, %convert_element_type3A, %cond3A : i32
      scf.if %cond3A_53 {
        %rem3A_74 = arith.constant 0 : i32
        %rem3A_75 = arith.constant 3 : i32
        %rem3A_76 = arith.remsi %rem3A_74, %rem3A_75 : i32
        %mul3A_77 = arith.constant 32 : i32
        %mul3A_78 = arith.muli %rem3A_76, %mul3A_77 : i32
        %add3A_79 = arith.constant 0 : i32
        %add3A_80 = arith.addi %mul3A_2, %add3A_79 : i32
        %dma_wait3A_81 = arith.constant 0 : i32
        %dma_wait3A_82 = tpu.memref_slice %arg11[%mul3A_78, %dma_wait3A_81] : memref<96x512xf32, #tpu.memory_space<vmem>> -> memref<32x512xf32, #tpu.memory_space<vmem>>
        %dma_wait3A_83 = arith.constant 0 : i32
        %dma_wait3A_84 = tpu.memref_slice %arg6[%add3A_80, %dma_wait3A_83] : memref<32768x512xf32, #tpu.memory_space<hbm>> -> memref<32x512xf32, #tpu.memory_space<hbm>>
        %dma_wait3A_85 = arith.constant 0 : i32
        %dma_wait3A_86 = tpu.memref_slice %arg6[%add3A_80, %dma_wait3A_85] : memref<32768x512xf32, #tpu.memory_space<hbm>> -> memref<32x512xf32, #tpu.memory_space<hbm>>
        %dma_wait3A_87 = arith.constant 0 : i32
        %dma_wait3A_88 = tpu.memref_slice %arg11[%mul3A_78, %dma_wait3A_87] : memref<96x512xf32, #tpu.memory_space<vmem>> -> memref<32x512xf32, #tpu.memory_space<vmem>>
        tpu.wait_dma2 semaphore(%arg12 : memref<!tpu.dma_semaphore, #tpu.memory_space<semaphore_mem>>) src(%dma_wait3A_88 : memref<32x512xf32, #tpu.memory_space<vmem>>) dst(%dma_wait3A_86 : memref<32x512xf32, #tpu.memory_space<hbm>>)
      } else {
      }
      %rem3A_54 = arith.constant 3 : i32
      %rem3A_55 = arith.remsi %scan3A_51, %rem3A_54 : i32
      %mul3A_56 = arith.constant 32 : i32
      %mul3A_57 = arith.muli %rem3A_55, %mul3A_56 : i32
      %parallel_loop3A = arith.constant 0 : i32
      %parallel_loop3A_58 = arith.constant 32 : i32
      %parallel_loop3A_59 = arith.constant 1 : i32
      scf.for %parallel_loop3A_74 = %parallel_loop3A to %parallel_loop3A_58 step %parallel_loop3A_59  : i32 {
        %parallel_loop3A_75 = arith.constant 32 : i32
        %parallel_loop3A_76 = arith.muli %scan3A_51, %parallel_loop3A_75 : i32
        %parallel_loop3A_77 = arith.addi %parallel_loop3A_76, %parallel_loop3A_74 : i32
        %parallel_loop3A_78 = arith.index_cast %parallel_loop3A_77 : i32 to index
        %parallel_loop3A_79 = tpu.vector_load %arg7[%parallel_loop3A_78] {strides = array<i32>} : memref<1040xi32, #tpu.memory_space<vmem>>, vector<16xi32>,
        %parallel_loop3A_80 = vector.shape_cast %parallel_loop3A_79 : vector<16xi32> to vector<16xi32>
        %parallel_loop3A_81 = vector.extract_strided_slice %parallel_loop3A_80 {offsets = [0], sizes = [1], strides = [1]} : vector<16xi32> to vector<1xi32>
        %parallel_loop3A_82 = vector.extract %parallel_loop3A_81[0] : i32 from vector<1xi32>
        %parallel_loop3A_83 = arith.constant 255 : i32
        %parallel_loop3A_84 = arith.andi %parallel_loop3A_82, %parallel_loop3A_83 : i32
        %parallel_loop3A_85 = arith.constant 8 : i32
        %parallel_loop3A_86 = arith.shrsi %parallel_loop3A_82, %parallel_loop3A_85 : i32
        %parallel_loop3A_87 = arith.constant 255 : i32
        %parallel_loop3A_88 = arith.andi %parallel_loop3A_86, %parallel_loop3A_87 : i32
        %parallel_loop3A_89 = arith.constant 16 : i32
        %parallel_loop3A_90 = arith.shrsi %parallel_loop3A_82, %parallel_loop3A_89 : i32
        %parallel_loop3A_91 = arith.addi %mul3A_57, %parallel_loop3A_74 : i32
        %parallel_loop3A_92 = arith.index_cast %parallel_loop3A_84 : i32 to index
        %parallel_loop3A_93 = arith.constant 0 : index
        %parallel_loop3A_94 = tpu.vector_load %arg8[%parallel_loop3A_92, %parallel_loop3A_93] {strides = array<i32>} : memref<256x256xf32, #tpu.memory_space<vmem>>, vector<1x16xf32>,
        %parallel_loop3A_95 = vector.shape_cast %parallel_loop3A_94 : vector<1x16xf32> to vector<16xf32>
        %parallel_loop3A_96 = arith.index_cast %parallel_loop3A_91 : i32 to index
        %parallel_loop3A_97 = arith.constant 0 : index
        %parallel_loop3A_98 = tpu.vector_load %arg11[%parallel_loop3A_96, %parallel_loop3A_97] {strides = array<i32>} : memref<96x512xf32, #tpu.memory_space<vmem>>, vector<1x16xf32>,
        %parallel_loop3A_99 = vector.shape_cast %parallel_loop3A_98 : vector<1x16xf32> to vector<16xf32>
        %parallel_loop3A_100 = vector.shape_cast %parallel_loop3A_95 : vector<16xf32> to vector<1x16xf32>
        tpu.vector_store %arg11[%parallel_loop3A_96, %parallel_loop3A_97], %parallel_loop3A_100 {strides = array<i32>} : memref<96x512xf32, #tpu.memory_space<vmem>>, vector<1x16xf32>,
        %parallel_loop3A_101 = arith.index_cast %parallel_loop3A_84 : i32 to index
        %parallel_loop3A_102 = arith.constant 16 : index
        %parallel_loop3A_103 = tpu.vector_load %arg8[%parallel_loop3A_101, %parallel_loop3A_102] {strides = array<i32>} : memref<256x256xf32, #tpu.memory_space<vmem>>, vector<1x16xf32>,
        %parallel_loop3A_104 = vector.shape_cast %parallel_loop3A_103 : vector<1x16xf32> to vector<16xf32>
        %parallel_loop3A_105 = arith.index_cast %parallel_loop3A_91 : i32 to index
        %parallel_loop3A_106 = arith.constant 16 : index
        %parallel_loop3A_107 = tpu.vector_load %arg11[%parallel_loop3A_105, %parallel_loop3A_106] {strides = array<i32>} : memref<96x512xf32, #tpu.memory_space<vmem>>, vector<1x16xf32>,
        %parallel_loop3A_108 = vector.shape_cast %parallel_loop3A_107 : vector<1x16xf32> to vector<16xf32>
        %parallel_loop3A_109 = vector.shape_cast %parallel_loop3A_104 : vector<16xf32> to vector<1x16xf32>
        tpu.vector_store %arg11[%parallel_loop3A_105, %parallel_loop3A_106], %parallel_loop3A_109 {strides = array<i32>} : memref<96x512xf32, #tpu.memory_space<vmem>>, vector<1x16xf32>,
        %parallel_loop3A_110 = arith.index_cast %parallel_loop3A_84 : i32 to index
        %parallel_loop3A_111 = arith.constant 32 : index
        %parallel_loop3A_112 = tpu.vector_load %arg8[%parallel_loop3A_110, %parallel_loop3A_111] {strides = array<i32>} : memref<256x256xf32, #tpu.memory_space<vmem>>, vector<1x16xf32>,
        %parallel_loop3A_113 = vector.shape_cast %parallel_loop3A_112 : vector<1x16xf32> to vector<16xf32>
        %parallel_loop3A_114 = arith.index_cast %parallel_loop3A_91 : i32 to index
        %parallel_loop3A_115 = arith.constant 32 : index
        %parallel_loop3A_116 = tpu.vector_load %arg11[%parallel_loop3A_114, %parallel_loop3A_115] {strides = array<i32>} : memref<96x512xf32, #tpu.memory_space<vmem>>, vector<1x16xf32>,
        %parallel_loop3A_117 = vector.shape_cast %parallel_loop3A_116 : vector<1x16xf32> to vector<16xf32>
        %parallel_loop3A_118 = vector.shape_cast %parallel_loop3A_113 : vector<16xf32> to vector<1x16xf32>
        tpu.vector_store %arg11[%parallel_loop3A_114, %parallel_loop3A_115], %parallel_loop3A_118 {strides = array<i32>} : memref<96x512xf32, #tpu.memory_space<vmem>>, vector<1x16xf32>,
        %parallel_loop3A_119 = arith.index_cast %parallel_loop3A_84 : i32 to index
        %parallel_loop3A_120 = arith.constant 48 : index
        %parallel_loop3A_121 = tpu.vector_load %arg8[%parallel_loop3A_119, %parallel_loop3A_120] {strides = array<i32>} : memref<256x256xf32, #tpu.memory_space<vmem>>, vector<1x16xf32>,
        %parallel_loop3A_122 = vector.shape_cast %parallel_loop3A_121 : vector<1x16xf32> to vector<16xf32>
        %parallel_loop3A_123 = arith.index_cast %parallel_loop3A_91 : i32 to index
        %parallel_loop3A_124 = arith.constant 48 : index
        %parallel_loop3A_125 = tpu.vector_load %arg11[%parallel_loop3A_123, %parallel_loop3A_124] {strides = array<i32>} : memref<96x512xf32, #tpu.memory_space<vmem>>, vector<1x16xf32>,
        %parallel_loop3A_126 = vector.shape_cast %parallel_loop3A_125 : vector<1x16xf32> to vector<16xf32>
        %parallel_loop3A_127 = vector.shape_cast %parallel_loop3A_122 : vector<16xf32> to vector<1x16xf32>
        tpu.vector_store %arg11[%parallel_loop3A_123, %parallel_loop3A_124], %parallel_loop3A_127 {strides = array<i32>} : memref<96x512xf32, #tpu.memory_space<vmem>>, vector<1x16xf32>,
        %parallel_loop3A_128 = arith.index_cast %parallel_loop3A_84 : i32 to index
        %parallel_loop3A_129 = arith.constant 64 : index
        %parallel_loop3A_130 = tpu.vector_load %arg8[%parallel_loop3A_128, %parallel_loop3A_129] {strides = array<i32>} : memref<256x256xf32, #tpu.memory_space<vmem>>, vector<1x16xf32>,
        %parallel_loop3A_131 = vector.shape_cast %parallel_loop3A_130 : vector<1x16xf32> to vector<16xf32>
        %parallel_loop3A_132 = arith.index_cast %parallel_loop3A_91 : i32 to index
        %parallel_loop3A_133 = arith.constant 64 : index
        %parallel_loop3A_134 = tpu.vector_load %arg11[%parallel_loop3A_132, %parallel_loop3A_133] {strides = array<i32>} : memref<96x512xf32, #tpu.memory_space<vmem>>, vector<1x16xf32>,
        %parallel_loop3A_135 = vector.shape_cast %parallel_loop3A_134 : vector<1x16xf32> to vector<16xf32>
        %parallel_loop3A_136 = vector.shape_cast %parallel_loop3A_131 : vector<16xf32> to vector<1x16xf32>
        tpu.vector_store %arg11[%parallel_loop3A_132, %parallel_loop3A_133], %parallel_loop3A_136 {strides = array<i32>} : memref<96x512xf32, #tpu.memory_space<vmem>>, vector<1x16xf32>,
        %parallel_loop3A_137 = arith.index_cast %parallel_loop3A_84 : i32 to index
        %parallel_loop3A_138 = arith.constant 80 : index
        %parallel_loop3A_139 = tpu.vector_load %arg8[%parallel_loop3A_137, %parallel_loop3A_138] {strides = array<i32>} : memref<256x256xf32, #tpu.memory_space<vmem>>, vector<1x16xf32>,
        %parallel_loop3A_140 = vector.shape_cast %parallel_loop3A_139 : vector<1x16xf32> to vector<16xf32>
        %parallel_loop3A_141 = arith.index_cast %parallel_loop3A_91 : i32 to index
        %parallel_loop3A_142 = arith.constant 80 : index
        %parallel_loop3A_143 = tpu.vector_load %arg11[%parallel_loop3A_141, %parallel_loop3A_142] {strides = array<i32>} : memref<96x512xf32, #tpu.memory_space<vmem>>, vector<1x16xf32>,
        %parallel_loop3A_144 = vector.shape_cast %parallel_loop3A_143 : vector<1x16xf32> to vector<16xf32>
        %parallel_loop3A_145 = vector.shape_cast %parallel_loop3A_140 : vector<16xf32> to vector<1x16xf32>
        tpu.vector_store %arg11[%parallel_loop3A_141, %parallel_loop3A_142], %parallel_loop3A_145 {strides = array<i32>} : memref<96x512xf32, #tpu.memory_space<vmem>>, vector<1x16xf32>,
        %parallel_loop3A_146 = arith.index_cast %parallel_loop3A_84 : i32 to index
        %parallel_loop3A_147 = arith.constant 96 : index
        %parallel_loop3A_148 = tpu.vector_load %arg8[%parallel_loop3A_146, %parallel_loop3A_147] {strides = array<i32>} : memref<256x256xf32, #tpu.memory_space<vmem>>, vector<1x16xf32>,
        %parallel_loop3A_149 = vector.shape_cast %parallel_loop3A_148 : vector<1x16xf32> to vector<16xf32>
        %parallel_loop3A_150 = arith.index_cast %parallel_loop3A_91 : i32 to index
        %parallel_loop3A_151 = arith.constant 96 : index
        %parallel_loop3A_152 = tpu.vector_load %arg11[%parallel_loop3A_150, %parallel_loop3A_151] {strides = array<i32>} : memref<96x512xf32, #tpu.memory_space<vmem>>, vector<1x16xf32>,
        %parallel_loop3A_153 = vector.shape_cast %parallel_loop3A_152 : vector<1x16xf32> to vector<16xf32>
        %parallel_loop3A_154 = vector.shape_cast %parallel_loop3A_149 : vector<16xf32> to vector<1x16xf32>
        tpu.vector_store %arg11[%parallel_loop3A_150, %parallel_loop3A_151], %parallel_loop3A_154 {strides = array<i32>} : memref<96x512xf32, #tpu.memory_space<vmem>>, vector<1x16xf32>,
        %parallel_loop3A_155 = arith.index_cast %parallel_loop3A_84 : i32 to index
        %parallel_loop3A_156 = arith.constant 112 : index
        %parallel_loop3A_157 = tpu.vector_load %arg8[%parallel_loop3A_155, %parallel_loop3A_156] {strides = array<i32>} : memref<256x256xf32, #tpu.memory_space<vmem>>, vector<1x16xf32>,
        %parallel_loop3A_158 = vector.shape_cast %parallel_loop3A_157 : vector<1x16xf32> to vector<16xf32>
        %parallel_loop3A_159 = arith.index_cast %parallel_loop3A_91 : i32 to index
        %parallel_loop3A_160 = arith.constant 112 : index
        %parallel_loop3A_161 = tpu.vector_load %arg11[%parallel_loop3A_159, %parallel_loop3A_160] {strides = array<i32>} : memref<96x512xf32, #tpu.memory_space<vmem>>, vector<1x16xf32>,
        %parallel_loop3A_162 = vector.shape_cast %parallel_loop3A_161 : vector<1x16xf32> to vector<16xf32>
        %parallel_loop3A_163 = vector.shape_cast %parallel_loop3A_158 : vector<16xf32> to vector<1x16xf32>
        tpu.vector_store %arg11[%parallel_loop3A_159, %parallel_loop3A_160], %parallel_loop3A_163 {strides = array<i32>} : memref<96x512xf32, #tpu.memory_space<vmem>>, vector<1x16xf32>,
        %parallel_loop3A_164 = arith.index_cast %parallel_loop3A_84 : i32 to index
        %parallel_loop3A_165 = arith.constant 128 : index
        %parallel_loop3A_166 = tpu.vector_load %arg8[%parallel_loop3A_164, %parallel_loop3A_165] {strides = array<i32>} : memref<256x256xf32, #tpu.memory_space<vmem>>, vector<1x16xf32>,
        %parallel_loop3A_167 = vector.shape_cast %parallel_loop3A_166 : vector<1x16xf32> to vector<16xf32>
        %parallel_loop3A_168 = arith.index_cast %parallel_loop3A_91 : i32 to index
        %parallel_loop3A_169 = arith.constant 128 : index
        %parallel_loop3A_170 = tpu.vector_load %arg11[%parallel_loop3A_168, %parallel_loop3A_169] {strides = array<i32>} : memref<96x512xf32, #tpu.memory_space<vmem>>, vector<1x16xf32>,
        %parallel_loop3A_171 = vector.shape_cast %parallel_loop3A_170 : vector<1x16xf32> to vector<16xf32>
        %parallel_loop3A_172 = vector.shape_cast %parallel_loop3A_167 : vector<16xf32> to vector<1x16xf32>
        tpu.vector_store %arg11[%parallel_loop3A_168, %parallel_loop3A_169], %parallel_loop3A_172 {strides = array<i32>} : memref<96x512xf32, #tpu.memory_space<vmem>>, vector<1x16xf32>,
        %parallel_loop3A_173 = arith.index_cast %parallel_loop3A_84 : i32 to index
        %parallel_loop3A_174 = arith.constant 144 : index
        %parallel_loop3A_175 = tpu.vector_load %arg8[%parallel_loop3A_173, %parallel_loop3A_174] {strides = array<i32>} : memref<256x256xf32, #tpu.memory_space<vmem>>, vector<1x16xf32>,
        %parallel_loop3A_176 = vector.shape_cast %parallel_loop3A_175 : vector<1x16xf32> to vector<16xf32>
        %parallel_loop3A_177 = arith.index_cast %parallel_loop3A_91 : i32 to index
        %parallel_loop3A_178 = arith.constant 144 : index
        %parallel_loop3A_179 = tpu.vector_load %arg11[%parallel_loop3A_177, %parallel_loop3A_178] {strides = array<i32>} : memref<96x512xf32, #tpu.memory_space<vmem>>, vector<1x16xf32>,
        %parallel_loop3A_180 = vector.shape_cast %parallel_loop3A_179 : vector<1x16xf32> to vector<16xf32>
        %parallel_loop3A_181 = vector.shape_cast %parallel_loop3A_176 : vector<16xf32> to vector<1x16xf32>
        tpu.vector_store %arg11[%parallel_loop3A_177, %parallel_loop3A_178], %parallel_loop3A_181 {strides = array<i32>} : memref<96x512xf32, #tpu.memory_space<vmem>>, vector<1x16xf32>,
        %parallel_loop3A_182 = arith.index_cast %parallel_loop3A_84 : i32 to index
        %parallel_loop3A_183 = arith.constant 160 : index
        %parallel_loop3A_184 = tpu.vector_load %arg8[%parallel_loop3A_182, %parallel_loop3A_183] {strides = array<i32>} : memref<256x256xf32, #tpu.memory_space<vmem>>, vector<1x16xf32>,
        %parallel_loop3A_185 = vector.shape_cast %parallel_loop3A_184 : vector<1x16xf32> to vector<16xf32>
        %parallel_loop3A_186 = arith.index_cast %parallel_loop3A_91 : i32 to index
        %parallel_loop3A_187 = arith.constant 160 : index
        %parallel_loop3A_188 = tpu.vector_load %arg11[%parallel_loop3A_186, %parallel_loop3A_187] {strides = array<i32>} : memref<96x512xf32, #tpu.memory_space<vmem>>, vector<1x16xf32>,
        %parallel_loop3A_189 = vector.shape_cast %parallel_loop3A_188 : vector<1x16xf32> to vector<16xf32>
        %parallel_loop3A_190 = vector.shape_cast %parallel_loop3A_185 : vector<16xf32> to vector<1x16xf32>
        tpu.vector_store %arg11[%parallel_loop3A_186, %parallel_loop3A_187], %parallel_loop3A_190 {strides = array<i32>} : memref<96x512xf32, #tpu.memory_space<vmem>>, vector<1x16xf32>,
        %parallel_loop3A_191 = arith.index_cast %parallel_loop3A_84 : i32 to index
        %parallel_loop3A_192 = arith.constant 176 : index
        %parallel_loop3A_193 = tpu.vector_load %arg8[%parallel_loop3A_191, %parallel_loop3A_192] {strides = array<i32>} : memref<256x256xf32, #tpu.memory_space<vmem>>, vector<1x16xf32>,
        %parallel_loop3A_194 = vector.shape_cast %parallel_loop3A_193 : vector<1x16xf32> to vector<16xf32>
        %parallel_loop3A_195 = arith.index_cast %parallel_loop3A_91 : i32 to index
        %parallel_loop3A_196 = arith.constant 176 : index
        %parallel_loop3A_197 = tpu.vector_load %arg11[%parallel_loop3A_195, %parallel_loop3A_196] {strides = array<i32>} : memref<96x512xf32, #tpu.memory_space<vmem>>, vector<1x16xf32>,
        %parallel_loop3A_198 = vector.shape_cast %parallel_loop3A_197 : vector<1x16xf32> to vector<16xf32>
        %parallel_loop3A_199 = vector.shape_cast %parallel_loop3A_194 : vector<16xf32> to vector<1x16xf32>
        tpu.vector_store %arg11[%parallel_loop3A_195, %parallel_loop3A_196], %parallel_loop3A_199 {strides = array<i32>} : memref<96x512xf32, #tpu.memory_space<vmem>>, vector<1x16xf32>,
        %parallel_loop3A_200 = arith.index_cast %parallel_loop3A_84 : i32 to index
        %parallel_loop3A_201 = arith.constant 192 : index
        %parallel_loop3A_202 = tpu.vector_load %arg8[%parallel_loop3A_200, %parallel_loop3A_201] {strides = array<i32>} : memref<256x256xf32, #tpu.memory_space<vmem>>, vector<1x16xf32>,
        %parallel_loop3A_203 = vector.shape_cast %parallel_loop3A_202 : vector<1x16xf32> to vector<16xf32>
        %parallel_loop3A_204 = arith.index_cast %parallel_loop3A_91 : i32 to index
        %parallel_loop3A_205 = arith.constant 192 : index
        %parallel_loop3A_206 = tpu.vector_load %arg11[%parallel_loop3A_204, %parallel_loop3A_205] {strides = array<i32>} : memref<96x512xf32, #tpu.memory_space<vmem>>, vector<1x16xf32>,
        %parallel_loop3A_207 = vector.shape_cast %parallel_loop3A_206 : vector<1x16xf32> to vector<16xf32>
        %parallel_loop3A_208 = vector.shape_cast %parallel_loop3A_203 : vector<16xf32> to vector<1x16xf32>
        tpu.vector_store %arg11[%parallel_loop3A_204, %parallel_loop3A_205], %parallel_loop3A_208 {strides = array<i32>} : memref<96x512xf32, #tpu.memory_space<vmem>>, vector<1x16xf32>,
        %parallel_loop3A_209 = arith.index_cast %parallel_loop3A_84 : i32 to index
        %parallel_loop3A_210 = arith.constant 208 : index
        %parallel_loop3A_211 = tpu.vector_load %arg8[%parallel_loop3A_209, %parallel_loop3A_210] {strides = array<i32>} : memref<256x256xf32, #tpu.memory_space<vmem>>, vector<1x16xf32>,
        %parallel_loop3A_212 = vector.shape_cast %parallel_loop3A_211 : vector<1x16xf32> to vector<16xf32>
        %parallel_loop3A_213 = arith.index_cast %parallel_loop3A_91 : i32 to index
        %parallel_loop3A_214 = arith.constant 208 : index
        %parallel_loop3A_215 = tpu.vector_load %arg11[%parallel_loop3A_213, %parallel_loop3A_214] {strides = array<i32>} : memref<96x512xf32, #tpu.memory_space<vmem>>, vector<1x16xf32>,
        %parallel_loop3A_216 = vector.shape_cast %parallel_loop3A_215 : vector<1x16xf32> to vector<16xf32>
        %parallel_loop3A_217 = vector.shape_cast %parallel_loop3A_212 : vector<16xf32> to vector<1x16xf32>
        tpu.vector_store %arg11[%parallel_loop3A_213, %parallel_loop3A_214], %parallel_loop3A_217 {strides = array<i32>} : memref<96x512xf32, #tpu.memory_space<vmem>>, vector<1x16xf32>,
        %parallel_loop3A_218 = arith.index_cast %parallel_loop3A_84 : i32 to index
        %parallel_loop3A_219 = arith.constant 224 : index
        %parallel_loop3A_220 = tpu.vector_load %arg8[%parallel_loop3A_218, %parallel_loop3A_219] {strides = array<i32>} : memref<256x256xf32, #tpu.memory_space<vmem>>, vector<1x16xf32>,
        %parallel_loop3A_221 = vector.shape_cast %parallel_loop3A_220 : vector<1x16xf32> to vector<16xf32>
        %parallel_loop3A_222 = arith.index_cast %parallel_loop3A_91 : i32 to index
        %parallel_loop3A_223 = arith.constant 224 : index
        %parallel_loop3A_224 = tpu.vector_load %arg11[%parallel_loop3A_222, %parallel_loop3A_223] {strides = array<i32>} : memref<96x512xf32, #tpu.memory_space<vmem>>, vector<1x16xf32>,
        %parallel_loop3A_225 = vector.shape_cast %parallel_loop3A_224 : vector<1x16xf32> to vector<16xf32>
        %parallel_loop3A_226 = vector.shape_cast %parallel_loop3A_221 : vector<16xf32> to vector<1x16xf32>
        tpu.vector_store %arg11[%parallel_loop3A_222, %parallel_loop3A_223], %parallel_loop3A_226 {strides = array<i32>} : memref<96x512xf32, #tpu.memory_space<vmem>>, vector<1x16xf32>,
        %parallel_loop3A_227 = arith.index_cast %parallel_loop3A_84 : i32 to index
        %parallel_loop3A_228 = arith.constant 240 : index
        %parallel_loop3A_229 = tpu.vector_load %arg8[%parallel_loop3A_227, %parallel_loop3A_228] {strides = array<i32>} : memref<256x256xf32, #tpu.memory_space<vmem>>, vector<1x16xf32>,
        %parallel_loop3A_230 = vector.shape_cast %parallel_loop3A_229 : vector<1x16xf32> to vector<16xf32>
        %parallel_loop3A_231 = arith.index_cast %parallel_loop3A_91 : i32 to index
        %parallel_loop3A_232 = arith.constant 240 : index
        %parallel_loop3A_233 = tpu.vector_load %arg11[%parallel_loop3A_231, %parallel_loop3A_232] {strides = array<i32>} : memref<96x512xf32, #tpu.memory_space<vmem>>, vector<1x16xf32>,
        %parallel_loop3A_234 = vector.shape_cast %parallel_loop3A_233 : vector<1x16xf32> to vector<16xf32>
        %parallel_loop3A_235 = vector.shape_cast %parallel_loop3A_230 : vector<16xf32> to vector<1x16xf32>
        tpu.vector_store %arg11[%parallel_loop3A_231, %parallel_loop3A_232], %parallel_loop3A_235 {strides = array<i32>} : memref<96x512xf32, #tpu.memory_space<vmem>>, vector<1x16xf32>,
        %parallel_loop3A_236 = arith.index_cast %parallel_loop3A_88 : i32 to index
        %parallel_loop3A_237 = arith.constant 0 : index
        %parallel_loop3A_238 = tpu.vector_load %arg9[%parallel_loop3A_236, %parallel_loop3A_237] {strides = array<i32>} : memref<4x128xf32, #tpu.memory_space<vmem>>, vector<1x16xf32>,
        %parallel_loop3A_239 = vector.shape_cast %parallel_loop3A_238 : vector<1x16xf32> to vector<16xf32>
        %parallel_loop3A_240 = arith.index_cast %parallel_loop3A_91 : i32 to index
        %parallel_loop3A_241 = arith.constant 256 : index
        %parallel_loop3A_242 = tpu.vector_load %arg11[%parallel_loop3A_240, %parallel_loop3A_241] {strides = array<i32>} : memref<96x512xf32, #tpu.memory_space<vmem>>, vector<1x16xf32>,
        %parallel_loop3A_243 = vector.shape_cast %parallel_loop3A_242 : vector<1x16xf32> to vector<16xf32>
        %parallel_loop3A_244 = vector.shape_cast %parallel_loop3A_239 : vector<16xf32> to vector<1x16xf32>
        tpu.vector_store %arg11[%parallel_loop3A_240, %parallel_loop3A_241], %parallel_loop3A_244 {strides = array<i32>} : memref<96x512xf32, #tpu.memory_space<vmem>>, vector<1x16xf32>,
        %parallel_loop3A_245 = arith.index_cast %parallel_loop3A_88 : i32 to index
        %parallel_loop3A_246 = arith.constant 16 : index
        %parallel_loop3A_247 = tpu.vector_load %arg9[%parallel_loop3A_245, %parallel_loop3A_246] {strides = array<i32>} : memref<4x128xf32, #tpu.memory_space<vmem>>, vector<1x16xf32>,
        %parallel_loop3A_248 = vector.shape_cast %parallel_loop3A_247 : vector<1x16xf32> to vector<16xf32>
        %parallel_loop3A_249 = arith.index_cast %parallel_loop3A_91 : i32 to index
        %parallel_loop3A_250 = arith.constant 272 : index
        %parallel_loop3A_251 = tpu.vector_load %arg11[%parallel_loop3A_249, %parallel_loop3A_250] {strides = array<i32>} : memref<96x512xf32, #tpu.memory_space<vmem>>, vector<1x16xf32>,
        %parallel_loop3A_252 = vector.shape_cast %parallel_loop3A_251 : vector<1x16xf32> to vector<16xf32>
        %parallel_loop3A_253 = vector.shape_cast %parallel_loop3A_248 : vector<16xf32> to vector<1x16xf32>
        tpu.vector_store %arg11[%parallel_loop3A_249, %parallel_loop3A_250], %parallel_loop3A_253 {strides = array<i32>} : memref<96x512xf32, #tpu.memory_space<vmem>>, vector<1x16xf32>,
        %parallel_loop3A_254 = arith.index_cast %parallel_loop3A_88 : i32 to index
        %parallel_loop3A_255 = arith.constant 32 : index
        %parallel_loop3A_256 = tpu.vector_load %arg9[%parallel_loop3A_254, %parallel_loop3A_255] {strides = array<i32>} : memref<4x128xf32, #tpu.memory_space<vmem>>, vector<1x16xf32>,
        %parallel_loop3A_257 = vector.shape_cast %parallel_loop3A_256 : vector<1x16xf32> to vector<16xf32>
        %parallel_loop3A_258 = arith.index_cast %parallel_loop3A_91 : i32 to index
        %parallel_loop3A_259 = arith.constant 288 : index
        %parallel_loop3A_260 = tpu.vector_load %arg11[%parallel_loop3A_258, %parallel_loop3A_259] {strides = array<i32>} : memref<96x512xf32, #tpu.memory_space<vmem>>, vector<1x16xf32>,
        %parallel_loop3A_261 = vector.shape_cast %parallel_loop3A_260 : vector<1x16xf32> to vector<16xf32>
        %parallel_loop3A_262 = vector.shape_cast %parallel_loop3A_257 : vector<16xf32> to vector<1x16xf32>
        tpu.vector_store %arg11[%parallel_loop3A_258, %parallel_loop3A_259], %parallel_loop3A_262 {strides = array<i32>} : memref<96x512xf32, #tpu.memory_space<vmem>>, vector<1x16xf32>,
        %parallel_loop3A_263 = arith.index_cast %parallel_loop3A_88 : i32 to index
        %parallel_loop3A_264 = arith.constant 48 : index
        %parallel_loop3A_265 = tpu.vector_load %arg9[%parallel_loop3A_263, %parallel_loop3A_264] {strides = array<i32>} : memref<4x128xf32, #tpu.memory_space<vmem>>, vector<1x16xf32>,
        %parallel_loop3A_266 = vector.shape_cast %parallel_loop3A_265 : vector<1x16xf32> to vector<16xf32>
        %parallel_loop3A_267 = arith.index_cast %parallel_loop3A_91 : i32 to index
        %parallel_loop3A_268 = arith.constant 304 : index
        %parallel_loop3A_269 = tpu.vector_load %arg11[%parallel_loop3A_267, %parallel_loop3A_268] {strides = array<i32>} : memref<96x512xf32, #tpu.memory_space<vmem>>, vector<1x16xf32>,
        %parallel_loop3A_270 = vector.shape_cast %parallel_loop3A_269 : vector<1x16xf32> to vector<16xf32>
        %parallel_loop3A_271 = vector.shape_cast %parallel_loop3A_266 : vector<16xf32> to vector<1x16xf32>
        tpu.vector_store %arg11[%parallel_loop3A_267, %parallel_loop3A_268], %parallel_loop3A_271 {strides = array<i32>} : memref<96x512xf32, #tpu.memory_space<vmem>>, vector<1x16xf32>,
        %parallel_loop3A_272 = arith.index_cast %parallel_loop3A_88 : i32 to index
        %parallel_loop3A_273 = arith.constant 64 : index
        %parallel_loop3A_274 = tpu.vector_load %arg9[%parallel_loop3A_272, %parallel_loop3A_273] {strides = array<i32>} : memref<4x128xf32, #tpu.memory_space<vmem>>, vector<1x16xf32>,
        %parallel_loop3A_275 = vector.shape_cast %parallel_loop3A_274 : vector<1x16xf32> to vector<16xf32>
        %parallel_loop3A_276 = arith.index_cast %parallel_loop3A_91 : i32 to index
        %parallel_loop3A_277 = arith.constant 320 : index
        %parallel_loop3A_278 = tpu.vector_load %arg11[%parallel_loop3A_276, %parallel_loop3A_277] {strides = array<i32>} : memref<96x512xf32, #tpu.memory_space<vmem>>, vector<1x16xf32>,
        %parallel_loop3A_279 = vector.shape_cast %parallel_loop3A_278 : vector<1x16xf32> to vector<16xf32>
        %parallel_loop3A_280 = vector.shape_cast %parallel_loop3A_275 : vector<16xf32> to vector<1x16xf32>
        tpu.vector_store %arg11[%parallel_loop3A_276, %parallel_loop3A_277], %parallel_loop3A_280 {strides = array<i32>} : memref<96x512xf32, #tpu.memory_space<vmem>>, vector<1x16xf32>,
        %parallel_loop3A_281 = arith.index_cast %parallel_loop3A_88 : i32 to index
        %parallel_loop3A_282 = arith.constant 80 : index
        %parallel_loop3A_283 = tpu.vector_load %arg9[%parallel_loop3A_281, %parallel_loop3A_282] {strides = array<i32>} : memref<4x128xf32, #tpu.memory_space<vmem>>, vector<1x16xf32>,
        %parallel_loop3A_284 = vector.shape_cast %parallel_loop3A_283 : vector<1x16xf32> to vector<16xf32>
        %parallel_loop3A_285 = arith.index_cast %parallel_loop3A_91 : i32 to index
        %parallel_loop3A_286 = arith.constant 336 : index
        %parallel_loop3A_287 = tpu.vector_load %arg11[%parallel_loop3A_285, %parallel_loop3A_286] {strides = array<i32>} : memref<96x512xf32, #tpu.memory_space<vmem>>, vector<1x16xf32>,
        %parallel_loop3A_288 = vector.shape_cast %parallel_loop3A_287 : vector<1x16xf32> to vector<16xf32>
        %parallel_loop3A_289 = vector.shape_cast %parallel_loop3A_284 : vector<16xf32> to vector<1x16xf32>
        tpu.vector_store %arg11[%parallel_loop3A_285, %parallel_loop3A_286], %parallel_loop3A_289 {strides = array<i32>} : memref<96x512xf32, #tpu.memory_space<vmem>>, vector<1x16xf32>,
        %parallel_loop3A_290 = arith.index_cast %parallel_loop3A_88 : i32 to index
        %parallel_loop3A_291 = arith.constant 96 : index
        %parallel_loop3A_292 = tpu.vector_load %arg9[%parallel_loop3A_290, %parallel_loop3A_291] {strides = array<i32>} : memref<4x128xf32, #tpu.memory_space<vmem>>, vector<1x16xf32>,
        %parallel_loop3A_293 = vector.shape_cast %parallel_loop3A_292 : vector<1x16xf32> to vector<16xf32>
        %parallel_loop3A_294 = arith.index_cast %parallel_loop3A_91 : i32 to index
        %parallel_loop3A_295 = arith.constant 352 : index
        %parallel_loop3A_296 = tpu.vector_load %arg11[%parallel_loop3A_294, %parallel_loop3A_295] {strides = array<i32>} : memref<96x512xf32, #tpu.memory_space<vmem>>, vector<1x16xf32>,
        %parallel_loop3A_297 = vector.shape_cast %parallel_loop3A_296 : vector<1x16xf32> to vector<16xf32>
        %parallel_loop3A_298 = vector.shape_cast %parallel_loop3A_293 : vector<16xf32> to vector<1x16xf32>
        tpu.vector_store %arg11[%parallel_loop3A_294, %parallel_loop3A_295], %parallel_loop3A_298 {strides = array<i32>} : memref<96x512xf32, #tpu.memory_space<vmem>>, vector<1x16xf32>,
        %parallel_loop3A_299 = arith.index_cast %parallel_loop3A_88 : i32 to index
        %parallel_loop3A_300 = arith.constant 112 : index
        %parallel_loop3A_301 = tpu.vector_load %arg9[%parallel_loop3A_299, %parallel_loop3A_300] {strides = array<i32>} : memref<4x128xf32, #tpu.memory_space<vmem>>, vector<1x16xf32>,
        %parallel_loop3A_302 = vector.shape_cast %parallel_loop3A_301 : vector<1x16xf32> to vector<16xf32>
        %parallel_loop3A_303 = arith.index_cast %parallel_loop3A_91 : i32 to index
        %parallel_loop3A_304 = arith.constant 368 : index
        %parallel_loop3A_305 = tpu.vector_load %arg11[%parallel_loop3A_303, %parallel_loop3A_304] {strides = array<i32>} : memref<96x512xf32, #tpu.memory_space<vmem>>, vector<1x16xf32>,
        %parallel_loop3A_306 = vector.shape_cast %parallel_loop3A_305 : vector<1x16xf32> to vector<16xf32>
        %parallel_loop3A_307 = vector.shape_cast %parallel_loop3A_302 : vector<16xf32> to vector<1x16xf32>
        tpu.vector_store %arg11[%parallel_loop3A_303, %parallel_loop3A_304], %parallel_loop3A_307 {strides = array<i32>} : memref<96x512xf32, #tpu.memory_space<vmem>>, vector<1x16xf32>,
        %parallel_loop3A_308 = arith.index_cast %parallel_loop3A_90 : i32 to index
        %parallel_loop3A_309 = arith.constant 0 : index
        %parallel_loop3A_310 = tpu.vector_load %arg10[%parallel_loop3A_308, %parallel_loop3A_309] {strides = array<i32>} : memref<64x128xf32, #tpu.memory_space<vmem>>, vector<1x16xf32>,
        %parallel_loop3A_311 = vector.shape_cast %parallel_loop3A_310 : vector<1x16xf32> to vector<16xf32>
        %parallel_loop3A_312 = arith.index_cast %parallel_loop3A_91 : i32 to index
        %parallel_loop3A_313 = arith.constant 384 : index
        %parallel_loop3A_314 = tpu.vector_load %arg11[%parallel_loop3A_312, %parallel_loop3A_313] {strides = array<i32>} : memref<96x512xf32, #tpu.memory_space<vmem>>, vector<1x16xf32>,
        %parallel_loop3A_315 = vector.shape_cast %parallel_loop3A_314 : vector<1x16xf32> to vector<16xf32>
        %parallel_loop3A_316 = vector.shape_cast %parallel_loop3A_311 : vector<16xf32> to vector<1x16xf32>
        tpu.vector_store %arg11[%parallel_loop3A_312, %parallel_loop3A_313], %parallel_loop3A_316 {strides = array<i32>} : memref<96x512xf32, #tpu.memory_space<vmem>>, vector<1x16xf32>,
        %parallel_loop3A_317 = arith.index_cast %parallel_loop3A_90 : i32 to index
        %parallel_loop3A_318 = arith.constant 16 : index
        %parallel_loop3A_319 = tpu.vector_load %arg10[%parallel_loop3A_317, %parallel_loop3A_318] {strides = array<i32>} : memref<64x128xf32, #tpu.memory_space<vmem>>, vector<1x16xf32>,
        %parallel_loop3A_320 = vector.shape_cast %parallel_loop3A_319 : vector<1x16xf32> to vector<16xf32>
        %parallel_loop3A_321 = arith.index_cast %parallel_loop3A_91 : i32 to index
        %parallel_loop3A_322 = arith.constant 400 : index
        %parallel_loop3A_323 = tpu.vector_load %arg11[%parallel_loop3A_321, %parallel_loop3A_322] {strides = array<i32>} : memref<96x512xf32, #tpu.memory_space<vmem>>, vector<1x16xf32>,
        %parallel_loop3A_324 = vector.shape_cast %parallel_loop3A_323 : vector<1x16xf32> to vector<16xf32>
        %parallel_loop3A_325 = vector.shape_cast %parallel_loop3A_320 : vector<16xf32> to vector<1x16xf32>
        tpu.vector_store %arg11[%parallel_loop3A_321, %parallel_loop3A_322], %parallel_loop3A_325 {strides = array<i32>} : memref<96x512xf32, #tpu.memory_space<vmem>>, vector<1x16xf32>,
        %parallel_loop3A_326 = arith.index_cast %parallel_loop3A_90 : i32 to index
        %parallel_loop3A_327 = arith.constant 32 : index
        %parallel_loop3A_328 = tpu.vector_load %arg10[%parallel_loop3A_326, %parallel_loop3A_327] {strides = array<i32>} : memref<64x128xf32, #tpu.memory_space<vmem>>, vector<1x16xf32>,
        %parallel_loop3A_329 = vector.shape_cast %parallel_loop3A_328 : vector<1x16xf32> to vector<16xf32>
        %parallel_loop3A_330 = arith.index_cast %parallel_loop3A_91 : i32 to index
        %parallel_loop3A_331 = arith.constant 416 : index
        %parallel_loop3A_332 = tpu.vector_load %arg11[%parallel_loop3A_330, %parallel_loop3A_331] {strides = array<i32>} : memref<96x512xf32, #tpu.memory_space<vmem>>, vector<1x16xf32>,
        %parallel_loop3A_333 = vector.shape_cast %parallel_loop3A_332 : vector<1x16xf32> to vector<16xf32>
        %parallel_loop3A_334 = vector.shape_cast %parallel_loop3A_329 : vector<16xf32> to vector<1x16xf32>
        tpu.vector_store %arg11[%parallel_loop3A_330, %parallel_loop3A_331], %parallel_loop3A_334 {strides = array<i32>} : memref<96x512xf32, #tpu.memory_space<vmem>>, vector<1x16xf32>,
        %parallel_loop3A_335 = arith.index_cast %parallel_loop3A_90 : i32 to index
        %parallel_loop3A_336 = arith.constant 48 : index
        %parallel_loop3A_337 = tpu.vector_load %arg10[%parallel_loop3A_335, %parallel_loop3A_336] {strides = array<i32>} : memref<64x128xf32, #tpu.memory_space<vmem>>, vector<1x16xf32>,
        %parallel_loop3A_338 = vector.shape_cast %parallel_loop3A_337 : vector<1x16xf32> to vector<16xf32>
        %parallel_loop3A_339 = arith.index_cast %parallel_loop3A_91 : i32 to index
        %parallel_loop3A_340 = arith.constant 432 : index
        %parallel_loop3A_341 = tpu.vector_load %arg11[%parallel_loop3A_339, %parallel_loop3A_340] {strides = array<i32>} : memref<96x512xf32, #tpu.memory_space<vmem>>, vector<1x16xf32>,
        %parallel_loop3A_342 = vector.shape_cast %parallel_loop3A_341 : vector<1x16xf32> to vector<16xf32>
        %parallel_loop3A_343 = vector.shape_cast %parallel_loop3A_338 : vector<16xf32> to vector<1x16xf32>
        tpu.vector_store %arg11[%parallel_loop3A_339, %parallel_loop3A_340], %parallel_loop3A_343 {strides = array<i32>} : memref<96x512xf32, #tpu.memory_space<vmem>>, vector<1x16xf32>,
        %parallel_loop3A_344 = arith.index_cast %parallel_loop3A_90 : i32 to index
        %parallel_loop3A_345 = arith.constant 64 : index
        %parallel_loop3A_346 = tpu.vector_load %arg10[%parallel_loop3A_344, %parallel_loop3A_345] {strides = array<i32>} : memref<64x128xf32, #tpu.memory_space<vmem>>, vector<1x16xf32>,
        %parallel_loop3A_347 = vector.shape_cast %parallel_loop3A_346 : vector<1x16xf32> to vector<16xf32>
        %parallel_loop3A_348 = arith.index_cast %parallel_loop3A_91 : i32 to index
        %parallel_loop3A_349 = arith.constant 448 : index
        %parallel_loop3A_350 = tpu.vector_load %arg11[%parallel_loop3A_348, %parallel_loop3A_349] {strides = array<i32>} : memref<96x512xf32, #tpu.memory_space<vmem>>, vector<1x16xf32>,
        %parallel_loop3A_351 = vector.shape_cast %parallel_loop3A_350 : vector<1x16xf32> to vector<16xf32>
        %parallel_loop3A_352 = vector.shape_cast %parallel_loop3A_347 : vector<16xf32> to vector<1x16xf32>
        tpu.vector_store %arg11[%parallel_loop3A_348, %parallel_loop3A_349], %parallel_loop3A_352 {strides = array<i32>} : memref<96x512xf32, #tpu.memory_space<vmem>>, vector<1x16xf32>,
        %parallel_loop3A_353 = arith.index_cast %parallel_loop3A_90 : i32 to index
        %parallel_loop3A_354 = arith.constant 80 : index
        %parallel_loop3A_355 = tpu.vector_load %arg10[%parallel_loop3A_353, %parallel_loop3A_354] {strides = array<i32>} : memref<64x128xf32, #tpu.memory_space<vmem>>, vector<1x16xf32>,
        %parallel_loop3A_356 = vector.shape_cast %parallel_loop3A_355 : vector<1x16xf32> to vector<16xf32>
        %parallel_loop3A_357 = arith.index_cast %parallel_loop3A_91 : i32 to index
        %parallel_loop3A_358 = arith.constant 464 : index
        %parallel_loop3A_359 = tpu.vector_load %arg11[%parallel_loop3A_357, %parallel_loop3A_358] {strides = array<i32>} : memref<96x512xf32, #tpu.memory_space<vmem>>, vector<1x16xf32>,
        %parallel_loop3A_360 = vector.shape_cast %parallel_loop3A_359 : vector<1x16xf32> to vector<16xf32>
        %parallel_loop3A_361 = vector.shape_cast %parallel_loop3A_356 : vector<16xf32> to vector<1x16xf32>
        tpu.vector_store %arg11[%parallel_loop3A_357, %parallel_loop3A_358], %parallel_loop3A_361 {strides = array<i32>} : memref<96x512xf32, #tpu.memory_space<vmem>>, vector<1x16xf32>,
        %parallel_loop3A_362 = arith.index_cast %parallel_loop3A_90 : i32 to index
        %parallel_loop3A_363 = arith.constant 96 : index
        %parallel_loop3A_364 = tpu.vector_load %arg10[%parallel_loop3A_362, %parallel_loop3A_363] {strides = array<i32>} : memref<64x128xf32, #tpu.memory_space<vmem>>, vector<1x16xf32>,
        %parallel_loop3A_365 = vector.shape_cast %parallel_loop3A_364 : vector<1x16xf32> to vector<16xf32>
        %parallel_loop3A_366 = arith.index_cast %parallel_loop3A_91 : i32 to index
        %parallel_loop3A_367 = arith.constant 480 : index
        %parallel_loop3A_368 = tpu.vector_load %arg11[%parallel_loop3A_366, %parallel_loop3A_367] {strides = array<i32>} : memref<96x512xf32, #tpu.memory_space<vmem>>, vector<1x16xf32>,
        %parallel_loop3A_369 = vector.shape_cast %parallel_loop3A_368 : vector<1x16xf32> to vector<16xf32>
        %parallel_loop3A_370 = vector.shape_cast %parallel_loop3A_365 : vector<16xf32> to vector<1x16xf32>
        tpu.vector_store %arg11[%parallel_loop3A_366, %parallel_loop3A_367], %parallel_loop3A_370 {strides = array<i32>} : memref<96x512xf32, #tpu.memory_space<vmem>>, vector<1x16xf32>,
        %parallel_loop3A_371 = arith.index_cast %parallel_loop3A_90 : i32 to index
        %parallel_loop3A_372 = arith.constant 112 : index
        %parallel_loop3A_373 = tpu.vector_load %arg10[%parallel_loop3A_371, %parallel_loop3A_372] {strides = array<i32>} : memref<64x128xf32, #tpu.memory_space<vmem>>, vector<1x16xf32>,
        %parallel_loop3A_374 = vector.shape_cast %parallel_loop3A_373 : vector<1x16xf32> to vector<16xf32>
        %parallel_loop3A_375 = arith.index_cast %parallel_loop3A_91 : i32 to index
        %parallel_loop3A_376 = arith.constant 496 : index
        %parallel_loop3A_377 = tpu.vector_load %arg11[%parallel_loop3A_375, %parallel_loop3A_376] {strides = array<i32>} : memref<96x512xf32, #tpu.memory_space<vmem>>, vector<1x16xf32>,
        %parallel_loop3A_378 = vector.shape_cast %parallel_loop3A_377 : vector<1x16xf32> to vector<16xf32>
        %parallel_loop3A_379 = vector.shape_cast %parallel_loop3A_374 : vector<16xf32> to vector<1x16xf32>
        tpu.vector_store %arg11[%parallel_loop3A_375, %parallel_loop3A_376], %parallel_loop3A_379 {strides = array<i32>} : memref<96x512xf32, #tpu.memory_space<vmem>>, vector<1x16xf32>,
      } {sc.loop_unroll_factor = 8 : i64, sc.parallel_access}
      %rem3A_60 = arith.constant 3 : i32
      %rem3A_61 = arith.remsi %scan3A_51, %rem3A_60 : i32
      %mul3A_62 = arith.constant 32 : i32
      %mul3A_63 = arith.muli %rem3A_61, %mul3A_62 : i32
      %mul3A_64 = arith.constant 32 : i32
      %mul3A_65 = arith.muli %scan3A_51, %mul3A_64 : i32
      %add3A_66 = arith.addi %mul3A_2, %mul3A_65 : i32
      %dma_start3A = arith.constant 0 : i32
      %dma_start3A_67 = tpu.memref_slice %arg11[%mul3A_63, %dma_start3A] : memref<96x512xf32, #tpu.memory_space<vmem>> -> memref<32x512xf32, #tpu.memory_space<vmem>>
      %dma_start3A_68 = arith.constant 0 : i32
      %dma_start3A_69 = tpu.memref_slice %arg6[%add3A_66, %dma_start3A_68] : memref<32768x512xf32, #tpu.memory_space<hbm>> -> memref<32x512xf32, #tpu.memory_space<hbm>>
      %dma_start3A_70 = arith.constant 0 : i32
      %dma_start3A_71 = tpu.memref_slice %arg6[%add3A_66, %dma_start3A_70] : memref<32768x512xf32, #tpu.memory_space<hbm>> -> memref<32x512xf32, #tpu.memory_space<hbm>>
      %dma_start3A_72 = arith.constant 0 : i32
      %dma_start3A_73 = tpu.memref_slice %arg11[%mul3A_63, %dma_start3A_72] : memref<96x512xf32, #tpu.memory_space<vmem>> -> memref<32x512xf32, #tpu.memory_space<vmem>>
      tpu.enqueue_dma source(%dma_start3A_73 : memref<32x512xf32, #tpu.memory_space<vmem>>) target(%dma_start3A_71 : memref<32x512xf32, #tpu.memory_space<hbm>>) target_semaphore(%arg12 : memref<!tpu.dma_semaphore, #tpu.memory_space<semaphore_mem>>)
    }
    %scan3A_7 = arith.constant 32 : i32
    %rem3A = arith.constant 0 : i32
    %rem3A_8 = arith.constant 3 : i32
    %rem3A_9 = arith.remsi %rem3A, %rem3A_8 : i32
    %mul3A_10 = arith.constant 32 : i32
    %mul3A_11 = arith.muli %rem3A_9, %mul3A_10 : i32
    %add3A_12 = arith.constant 0 : i32
    %add3A_13 = arith.addi %mul3A_2, %add3A_12 : i32
    %dma_wait3A = arith.constant 0 : i32
    %dma_wait3A_14 = tpu.memref_slice %arg11[%mul3A_11, %dma_wait3A] : memref<96x512xf32, #tpu.memory_space<vmem>> -> memref<32x512xf32, #tpu.memory_space<vmem>>
    %dma_wait3A_15 = arith.constant 0 : i32
    %dma_wait3A_16 = tpu.memref_slice %arg6[%add3A_13, %dma_wait3A_15] : memref<32768x512xf32, #tpu.memory_space<hbm>> -> memref<32x512xf32, #tpu.memory_space<hbm>>
    %dma_wait3A_17 = arith.constant 0 : i32
    %dma_wait3A_18 = tpu.memref_slice %arg6[%add3A_13, %dma_wait3A_17] : memref<32768x512xf32, #tpu.memory_space<hbm>> -> memref<32x512xf32, #tpu.memory_space<hbm>>
    %dma_wait3A_19 = arith.constant 0 : i32
    %dma_wait3A_20 = tpu.memref_slice %arg11[%mul3A_11, %dma_wait3A_19] : memref<96x512xf32, #tpu.memory_space<vmem>> -> memref<32x512xf32, #tpu.memory_space<vmem>>
    tpu.wait_dma2 semaphore(%arg12 : memref<!tpu.dma_semaphore, #tpu.memory_space<semaphore_mem>>) src(%dma_wait3A_20 : memref<32x512xf32, #tpu.memory_space<vmem>>) dst(%dma_wait3A_18 : memref<32x512xf32, #tpu.memory_space<hbm>>)
    %rem3A_21 = arith.constant 0 : i32
    %rem3A_22 = arith.constant 3 : i32
    %rem3A_23 = arith.remsi %rem3A_21, %rem3A_22 : i32
    %mul3A_24 = arith.constant 32 : i32
    %mul3A_25 = arith.muli %rem3A_23, %mul3A_24 : i32
    %add3A_26 = arith.constant 0 : i32
    %add3A_27 = arith.addi %mul3A_2, %add3A_26 : i32
    %dma_wait3A_28 = arith.constant 0 : i32
    %dma_wait3A_29 = tpu.memref_slice %arg11[%mul3A_25, %dma_wait3A_28] : memref<96x512xf32, #tpu.memory_space<vmem>> -> memref<32x512xf32, #tpu.memory_space<vmem>>
    %dma_wait3A_30 = arith.constant 0 : i32
    %dma_wait3A_31 = tpu.memref_slice %arg6[%add3A_27, %dma_wait3A_30] : memref<32768x512xf32, #tpu.memory_space<hbm>> -> memref<32x512xf32, #tpu.memory_space<hbm>>
    %dma_wait3A_32 = arith.constant 0 : i32
    %dma_wait3A_33 = tpu.memref_slice %arg6[%add3A_27, %dma_wait3A_32] : memref<32768x512xf32, #tpu.memory_space<hbm>> -> memref<32x512xf32, #tpu.memory_space<hbm>>
    %dma_wait3A_34 = arith.constant 0 : i32
    %dma_wait3A_35 = tpu.memref_slice %arg11[%mul3A_25, %dma_wait3A_34] : memref<96x512xf32, #tpu.memory_space<vmem>> -> memref<32x512xf32, #tpu.memory_space<vmem>>
    tpu.wait_dma2 semaphore(%arg12 : memref<!tpu.dma_semaphore, #tpu.memory_space<semaphore_mem>>) src(%dma_wait3A_35 : memref<32x512xf32, #tpu.memory_space<vmem>>) dst(%dma_wait3A_33 : memref<32x512xf32, #tpu.memory_space<hbm>>)
    %rem3A_36 = arith.constant 0 : i32
    %rem3A_37 = arith.constant 3 : i32
    %rem3A_38 = arith.remsi %rem3A_36, %rem3A_37 : i32
    %mul3A_39 = arith.constant 32 : i32
    %mul3A_40 = arith.muli %rem3A_38, %mul3A_39 : i32
    %add3A_41 = arith.constant 0 : i32
    %add3A_42 = arith.addi %mul3A_2, %add3A_41 : i32
    %dma_wait3A_43 = arith.constant 0 : i32
    %dma_wait3A_44 = tpu.memref_slice %arg11[%mul3A_40, %dma_wait3A_43] : memref<96x512xf32, #tpu.memory_space<vmem>> -> memref<32x512xf32, #tpu.memory_space<vmem>>
    %dma_wait3A_45 = arith.constant 0 : i32
    %dma_wait3A_46 = tpu.memref_slice %arg6[%add3A_42, %dma_wait3A_45] : memref<32768x512xf32, #tpu.memory_space<hbm>> -> memref<32x512xf32, #tpu.memory_space<hbm>>
    %dma_wait3A_47 = arith.constant 0 : i32
    %dma_wait3A_48 = tpu.memref_slice %arg6[%add3A_42, %dma_wait3A_47] : memref<32768x512xf32, #tpu.memory_space<hbm>> -> memref<32x512xf32, #tpu.memory_space<hbm>>
    %dma_wait3A_49 = arith.constant 0 : i32
    %dma_wait3A_50 = tpu.memref_slice %arg11[%mul3A_40, %dma_wait3A_49] : memref<96x512xf32, #tpu.memory_space<vmem>> -> memref<32x512xf32, #tpu.memory_space<vmem>>
    tpu.wait_dma2 semaphore(%arg12 : memref<!tpu.dma_semaphore, #tpu.memory_space<semaphore_mem>>) src(%dma_wait3A_50 : memref<32x512xf32, #tpu.memory_space<vmem>>) dst(%dma_wait3A_48 : memref<32x512xf32, #tpu.memory_space<hbm>>)
    return
  }
}

</mosaic_0001>

<sc_bundles>
// kernel: kernel.3.cloned.1.call-start
scs
__scs_entry_jumppad:
0x0: {  	(pc) =	sbr.rel $0x88, $3  }
0x1: {  	(tag) =	ssettag $0x0;
	lr =	simm.s32 $0x1  }
0x2: {  	[smem:$0x3F9B] =	sst lr;
	_ =	strace $0xD0000000  }
0x3: {  	_ = 	snop  }
0x4: {  	_ = 	snop  }
0x5: {  	_ = 	snop  }
0x6: {  	_ = 	snop  }
0x7: {  	_ = 	snop  }
__scs_overlays_trampoline_lowered:
0x8: {  	[smem:$0x3FAA] =	sst s0  }
0x9: {  	[smem:$0x3FAB] =	sst s1  }
0xa: {  	[smem:$0x3FAC] =	sst s2  }
0xb: {  	[smem:$0x3FAD] =	sst s3  }
0xc: {  	[smem:$0x3FAE] =	sst s4  }
0xd: {  	[smem:$0x3FAF] =	sst s5  }
0xe: {  	[smem:$0x3FB0] =	sst s6  }
0xf: {  	[smem:$0x3FB1] =	sst s7  }
0x10: {  	[smem:$0x3FB2] =	sst s8  }
0x11: {  	[smem:$0x3FB3] =	sst s9;
	s0 =	simm.s32 @!p0 $0x0  }
0x12: {  	s1 =	sld [smem:$0x3F99];
	s0 =	simm.s32 @p0 $0x1  }
0x13: {  	[smem:$0x3FB4] =	sst s0;
	s0 =	simm.s32 @!p1 $0x0  }
0x14: {  	s2 =	sld [smem:$0x3F98];
	s0 =	simm.s32 @p1 $0x1  }
0x15: {  	[smem:$0x3FB5] =	sst s0;
	s0 =	simm.s32 @!p2 $0x0  }
0x16: {  	s3 =	sld [smem:$0x3FDB];
	s0 =	simm.s32 @p2 $0x1  }
0x17: {  	s4 =	simm.s32 $0x1BF5;
	[smem:$0x3FB7] =	sst s0  }
0x18: {  	s0 =	sld [smem:$0x3F9A];
	_ =	swait.ge [sflag:s4], $0x0  }
0x19: {  	s7 =	sld [smem:$0x3F9B]  }
0x1a: {  	s8 =	sadd.s32 $0xFFFFE003, lr  }
0x1b: {  	s9 =	sadd.s32 $0xFFFFFEF7, lr;
	s5 =	simm.s32 $0xFFFFFFFF;
	p2 =	slt.u32 s8, $0xFFFFF086  }
0x1c: {  	p1 =	slt.u32 s9, $0xF7A;
	s5 =	simm.s32 @!p2 $0x0  }
0x1d: {  	s5 =	simm.s32 @p1 $0x1;
	p0 =	seq.s32 s7, s2  }
0x1e: {  	s7 =	smul.u32 @!p0 $0xF7A, s2;
	p2 =	seq.s32 @!p0 s5, $0x0  }
0x1f: {  	s9 =	smul.u32 $0xF7A, s1;
	s8 =	simm.s32 @!p0 $0x1BF5;
	p2 =	por !p2, p0  }
0x20: {  	[sflag:s8] =	ssyncset.s32 @!p0 $0xFFFFF086;
	s6 =	sadd.s32 @!p0 s3, s7;
	s7 =	simm.s32 @!p0 $0x108  }
0x21: {  	s3 =	sadd.s32 s3, s9;
	s6 =	sadd.s32 @!p0 $0x88, s6;
	s7 =	simm.s32 @p2 $0x1082  }
0x22: {  	[simem:s7], [sflag:s8] =	dma.local @!p0 [hbm:s6], $0xF7A  }
0x23: {  	s9 =	sor.u32 $0xD0000000, s2;
	s6 =	simm.s32 $0x108;
	_ =	swait.ge @!p0 [sflag:s8], $0x0  }
0x24: {  	s3 =	sadd.s32 $0x88, s3;
	s6 =	simm.s32 @!p1 $0x1082;
	[sflag:s4] =	ssyncset.s32 $0xFFFFF086  }
0x25: {  	[simem:s6], [sflag:s4] =	dma.local [hbm:s3], $0xF7A  }
0x26: {  	[smem:$0x3F9B] =	sst s1;
	(tag) =	ssettag s2;
	_ =	strace s9  }
0x27: {  	s1 =	sld [smem:$0x3FAB]  }
0x28: {  	s2 =	sld [smem:$0x3FAC]  }
0x29: {  	s4 =	sld [smem:$0x3FAE]  }
0x2a: {  	p0 =	seq.s32 s5, $0x0;
	s5 =	sld [smem:$0x3FAF]  }
0x2b: {  	s6 =	sld [smem:$0x3FB0]  }
0x2c: {  	s7 =	sld [smem:$0x3FB1]  }
0x2d: {  	s3 =	simm.s32 $0x108;
	s8 =	sld [smem:$0x3FB2]  }
0x2e: {  	s3 =	simm.s32 @!p0 $0x1082;
	s9 =	sld [smem:$0x3FB3]  }
0x2f: {  	lr =	sadd.s32 s0, s3;
	s0 =	sld [smem:$0x3FAA]  }
0x30: {  	s3 =	sld [smem:$0x3FAD]  }
0x31: {  	[smem:$0x3FB6] =	sst s10  }
0x32: {  	s10 =	sld [smem:$0x3FB4];
	_ =	sdelay $0x3  }
0x33: {  	p0 =	seq.s32 s10, $0x1;
	s10 =	sld [smem:$0x3FB6];
	_ =	sdelay $0x3  }
0x34: {  	[smem:$0x3FB6] =	sst s10  }
0x35: {  	s10 =	sld [smem:$0x3FB5];
	_ =	sdelay $0x3  }
0x36: {  	p1 =	seq.s32 s10, $0x1;
	s10 =	sld [smem:$0x3FB6];
	_ =	sdelay $0x3  }
0x37: {  	[smem:$0x3FB6] =	sst s10  }
0x38: {  	s10 =	sld [smem:$0x3FB7]  }
0x39: {  	_ = 	snop;
	(pc) =	sbr.ind lr, $3  }
0x3a: {  	_ = 	snop  }
0x3b: {  	_ = 	snop  }
0x3c: {  	p2 =	seq.s32 s10, $0x1;
	s10 =	sld [smem:$0x3FB6]  }
0x3d: {  	_ =	shalt  }
0x3e: {  	_ =	shalt  }
0x3f: {  	_ =	shalt  }
0x40: {  	_ =	shalt  }
0x41: {  	_ =	shalt  }
0x42: {  	_ =	shalt  }
0x43: {  	_ =	shalt  }
0x44: {  	_ =	shalt  }
0x45: {  	_ =	shalt  }
0x46: {  	_ =	shalt  }
0x47: {  	_ =	shalt  }
0x48: {  	_ =	shalt  }
0x49: {  	_ =	shalt  }
0x4a: {  	_ =	shalt  }
0x4b: {  	_ =	shalt  }
0x4c: {  	_ =	shalt  }
0x4d: {  	_ =	shalt  }
0x4e: {  	_ =	shalt  }
0x4f: {  	_ =	shalt  }
0x50: {  	_ =	shalt  }
0x51: {  	_ =	shalt  }
0x52: {  	_ =	shalt  }
0x53: {  	_ =	shalt  }
0x54: {  	_ =	shalt  }
0x55: {  	_ =	shalt  }
0x56: {  	_ =	shalt  }
0x57: {  	_ =	shalt  }
0x58: {  	_ =	shalt  }
0x59: {  	_ =	shalt  }
0x5a: {  	_ =	shalt  }
0x5b: {  	_ =	shalt  }
0x5c: {  	_ =	shalt  }
0x5d: {  	_ =	shalt  }
0x5e: {  	_ =	shalt  }
0x5f: {  	_ =	shalt  }
0x60: {  	_ =	shalt  }
0x61: {  	_ =	shalt  }
0x62: {  	_ =	shalt  }
0x63: {  	_ =	shalt  }
0x64: {  	_ =	shalt  }
0x65: {  	_ =	shalt  }
0x66: {  	_ =	shalt  }
0x67: {  	_ =	shalt  }
0x68: {  	_ =	shalt  }
0x69: {  	_ =	shalt  }
0x6a: {  	_ =	shalt  }
0x6b: {  	_ =	shalt  }
0x6c: {  	_ =	shalt  }
0x6d: {  	_ =	shalt  }
0x6e: {  	_ =	shalt  }
0x6f: {  	_ =	shalt  }
0x70: {  	_ =	shalt  }
0x71: {  	_ =	shalt  }
0x72: {  	_ =	shalt  }
0x73: {  	_ =	shalt  }
0x74: {  	_ =	shalt  }
0x75: {  	_ =	shalt  }
0x76: {  	_ =	shalt  }
0x77: {  	_ =	shalt  }
0x78: {  	_ =	shalt  }
0x79: {  	_ =	shalt  }
0x7a: {  	_ =	shalt  }
0x7b: {  	_ =	shalt  }
0x7c: {  	_ =	shalt  }
0x7d: {  	_ =	shalt  }
0x7e: {  	_ =	shalt  }
0x7f: {  	_ =	shalt  }
0x80: {  	_ =	shalt  }
0x81: {  	_ =	shalt  }
0x82: {  	_ =	shalt  }
0x83: {  	_ =	shalt  }
0x84: {  	_ =	shalt  }
0x85: {  	_ =	shalt  }
0x86: {  	_ =	shalt  }
0x87: {  	_ =	shalt  }
.Lfunc_end0:
.L_simem_size_0:
called_computation_lowered:
.L_overlay_start_0:
0x88: {  	s2 =	sld [smem:$0x3FD9]  }
0x89: {  	s3 =	sld [smem:$0x3FFE];
	_ =	sdelay $0x1  }
0x8a: {  	s1 =	srdreg.scid  }
0x8b: {  	s0 =	sand.u32 $0x1, s1  }
0x8c: {  	s17 =	sshll.u32 s0, $0xA;
	s2 =	sadd.s32 s3, s2  }
0x8d: {  	s2 =	sadd.s32 s2, s17  }
0x8e: {  	[smem:$0x3FC2] =	sst s2  }
0x8f: {  	_ = 	snop  }
0x90: {  	s2 =	sld [smem:$0x3FC6]  }
0x91: {  	s18 =	sld [smem:$0x3FC5]  }
0x92: {  	s4 =	sld [smem:$0x3FC4]  }
0x93: {  	s5 =	sld [smem:$0x3FD0];
	(tm) =	ssettm $0x1  }
0x94: {  	s6 =	sld [smem:$0x3FFB];
	_ =	sdelay $0x3  }
0x95: {  	_ =	strace s6  }
0x96: {  	s6 =	sld [smem:$0x3FFC];
	_ =	sdelay $0x3  }
0x97: {  	_ =	strace s6  }
0x98: {  	s6 =	sld [smem:$0x3FFD];
	_ =	sdelay $0x3  }
0x99: {  	_ =	strace s6  }
0x9a: {  	_ =	strace $0x8FFFFFFF  }
0x9b: {  	s19 =	sld [smem:$0x3FDB];
	_ =	sdelay $0x1  }
0x9c: {  	s7 =	simm.s32 $_scs_section_size  }
0x9d: {  	s8 =	simm.s32 $_size__tile_overlayer_lowered;
	s9 =	simm.s32 $_tile_overlayer_lowered  }
0x9e: {  	s22 =	simm.s32 $0x1BFF;
	s21 =	sshll.u32 s9, $0x1;
	s6 =	sadd.s32 s7, s19  }
0x9f: {  	s10 =	simm.s32 $0x0;
	s20 =	sshll.u32 s8, $0x1;
	s8 =	sadd.s32 s21, s6  }
0xa0: {  	[timem:s10], [sflag:s22] =	dma.local [hbm:s8], s20  }
0xa1: {  	_ =	swait.ge [sflag:s22], s20  }
0xa2: {  	s7 =	ssub.s32 $0x0, s20;
	[sflag:s22] =	ssyncset.done $0x0  }
0xa3: {  	[sflag:s22] =	ssyncadd.s32 s7;
	_ =	sdelay $0x1  }
0xa4: {  	s23 =	simm.s32 $0x1B8B  }
0xa5: {  	_ =	swait.ge [sflag:s23], $0x1  }
0xa6: {  	[sflag:s23] =	ssyncset.done $0x0  }
0xa7: {  	s25 =	simm.s32 $0x1B8E;
	s24 =	sld [smem:$0x3FFE];
	[sflag:s23] =	ssyncadd.s32 $0xFFFFFFFF  }
0xa8: {  	s26 =	simm.s32 $execute0_lowered;
	[smem:$0x3FD2] =	sst s25  }
0xa9: {  	s8 =	sshll.u32 s26, $0x1;
	_ =	strace $0x80000046;
	[dreg:$0x1] =	wrdreg $0xFFFFFFFF  }
0xaa: {  	s28 =	simm.s32 $_size_execute0_lowered;
	s6 =	sadd.s32 s6, s8;
	[dreg:$0x0] =	wrdreg $0x0  }
0xab: {  	s8 =	sshll.u32 s28, $0x1;
	[dreg:$0x2] =	wrdreg s6  }
0xac: {  	[dreg:$0x3] =	wrdreg s8  }
0xad: {  	[dreg:$0x4] =	wrdreg $0xC0  }
0xae: {  	_ =	task [dreg:s10], $0x5FFFF  }
0xaf: {  	[dreg:$0x1] =	wrdreg $0xFFFFFFFF  }
0xb0: {  	[dreg:$0x0] =	wrdreg $0x60  }
0xb1: {  	[dreg:$0x2] =	wrdreg s24  }
0xb2: {  	[dreg:$0x3] =	wrdreg s2  }
0xb3: {  	[dreg:$0x4] =	wrdreg s18  }
0xb4: {  	[dreg:$0x5] =	wrdreg s4  }
0xb5: {  	[dreg:$0x6] =	wrdreg s5  }
0xb6: {  	[dreg:$0x7] =	wrdreg $0x9  }
0xb7: {  	_ =	task.clear_ibuf [dreg:s10], $0x8FFFF;
	_ =	strace $0x90000046  }
0xb8: {  	s29 =	simm.s32 $0x9;
	_ =	strace $0x80000048  }
0xb9: {  	_ =	swait.ge [sflag:s29], $0x1  }
0xba: {  	[sflag:s29] =	ssyncadd.s32 $0xFFFFFFFF  }
0xbb: {  	_ =	strace $0x90000048  }
0xbc: {  	_ =	sfence  }
0xbd: {  	s30 =	sld [smem:$0x0];
	_ =	sdelay $0x2  }
0xbe: {  	s31 =	sshll.u32 s1, $0xD;
	s1 =	sshrl.u32 s1, $0x2  }
0xbf: {  	s3 =	sand.u32 $0x4000, s31;
	s1 =	sadd.s32 s1, s30  }
0xc0: {  	s0 =	sor.u32 s3, s0;
	s1 =	sshll.u32 s1, $0x11  }
0xc1: {  	s0 =	sor.u32 s1, s0  }
0xc2: {  	s0 =	sadd.s32 $0x8F2B, s0  }
0xc3: {  	[sflag:s0] =	ssyncadd.remote.s32 $0x1  }
0xc4: {  	_ =	sfence.sel $0xFFFF  }
0xc5: {  	[dreg:$0x0] =	wrdreg $0xFFFFFFFF;
	(pc) =	sbr.abs _section_cstart, $3  }
0xc6: {  	[dreg:$0x1] =	wrdreg $0xFFFFFFFF  }
0xc7: {  	_ =	task.clear_ibuf [dreg:s10], $0x2FFFF;
	_ =	strace $0x9FFFFFFF  }
0xc8: {  	(tm) =	ssettm $0x7FFFFFFF  }
0xc9: {  	_ =	shalt  }
tec
execute0_lowered:
.L_overlay_start_1:
0x0: {  	(tag) =	ssettag $0x1  }
0x1: {  	s0 =	rddreg [dreg:$0x0];
	s2 =	srdreg.scid  }
0x2: {  	s1 =	rddreg [dreg:$0x4];
	s3 =	stileid.u32;
	s2 =	sand.u32 $0x1, s2  }
0x3: {  	s5 =	simm.s32 $0x0;
	s3 =	sshll.u32 s3, $0xB;
	s4 =	sshll.u32 s2, $0xA  }
0x4: {  	[smem:$0x7FF] =	sst s5;
	s2 =	ssub.s32 $0x2, s2;
	s3 =	sor.u32 s4, s3  }
0x5: {  	s29 =	sshrl.u32 s2, $0x1;
	s4 =	sshrl.u32 s3, $0x3;
	s3 =	sshll.u32 s3, $0x6  }
0x6: {  	_ =	strace $0x80000047;
	s2 =	ssub.s32 s2, s29;
	s30 =	sadd.s32 s1, s3  }
0x7: {  	s0 =	sadd.s32 s4, s0;
	s31 =	smax.u32 s2, $0x1;
	[smem:$0x7FC] =	sst s30  }
0x8: {  	s0 =	sadd.s32 $0x400, s0;
	[smem:$0x7FD] =	sst s31  }
0x9: {  	s2 =	simm.s32 $0x0;
	[smem:$0x7FB] =	sst s0  }
.LBB2_1:
0xa: {  	[smem:$0x7FA] =	sst s2  }
0xb: {  	s0 =	rddreg [dreg:$0x1]  }
0xc: {  	s1 =	simm.s32 $0x0;
	s24 =	simm.s32 $0x480;
	s25 =	simm.s32 $0x2  }
0xd: {  	[tilespmem:s24], [sflag:$0x2] =	stream.linear.gather [hbm4b:s0+s1], $0x10000, $0x38;
	[tilespmem:$0x1E680] =	vst v63  }
0xe: {  	_ =	swait.ge [sflag:s25], $0x10000  }
0xf: {  	[sflag:s25] =	ssyncset.done $0x0  }
0x10: {  	[sflag:s25] =	ssyncadd.s32 $0xFFFF0000  }
0x11: {  	s3 =	simm.s32 $0x10480;
	s26 =	rddreg [dreg:$0x2]  }
0x12: {  	[tilespmem:s3], [sflag:$0x2] =	stream.linear.gather [hbm4b:s26+s1], $0x200, $0x38;
	[tilespmem:$0x1E680] =	vst v63  }
0x13: {  	_ =	swait.ge [sflag:s25], $0x200  }
0x14: {  	[sflag:s25] =	ssyncset.done $0x0  }
0x15: {  	[sflag:s25] =	ssyncadd.s32 $0xFFFFFE00  }
0x16: {  	s30 =	simm.s32 $0x10680;
	s29 =	rddreg [dreg:$0x3]  }
0x17: {  	[tilespmem:s30], [sflag:$0x2] =	stream.linear.gather [hbm4b:s29+s1], $0x2000, $0x38;
	[tilespmem:$0x1E680] =	vst v63  }
0x18: {  	_ =	swait.ge [sflag:s25], $0x2000  }
0x19: {  	s31 =	sld [smem:$0x7FB]  }
0x1a: {  	[sflag:s25] =	ssyncset.done $0x0  }
0x1b: {  	[sflag:s25] =	ssyncadd.s32 $0xFFFFE000  }
0x1c: {  	[tilespmem:s1], [sflag:$0x2] =	stream.linear.gather [hbm4b:s31+s1], $0x400, $0x38;
	[tilespmem:$0x1E680] =	vst v63  }
0x1d: {  	_ =	swait.ge [sflag:s25], $0x400  }
0x1e: {  	s5 =	simm.s32 $0xE00;
	s28 =	simm.s32 $0x0;
	[sflag:s25] =	ssyncset.done $0x0  }
0x1f: {  	s24 =	simm.s32 $0x135F0;
	s26 =	simm.s32 $0x4;
	[sflag:s25] =	ssyncadd.s32 $0xFFFFFC00  }
.LBB2_2:
0x20: {  	s0 =	smulhi.u32 $0xAAAAAAAB, s28;
	_ =	sdelay $0x1  }
0x21: {  	s1 =	sshrl.u32 s0, $0x1  }
0x22: {  	s0 =	smul.u32 $0xFFFF4000, s1  }
0x23: {  	[smem:$0x7F9] =	sst s5;
	p0 =	slt.u32 s28, $0x3  }
0x24: {  	[dreg:$0x6] =	wrdreg s0;
	s0 =	simm.s32 @!p0 $0x1  }
0x25: {  	_ =	swait.ge @!p0 [sflag:s0], $0x4000  }
0x26: {  	[sflag:s0] =	ssyncset.done @!p0 $0x0  }
0x27: {  	[sflag:s0] =	ssyncadd.s32 @!p0 $0xFFFFC000  }
0x28: {  	v0 =	vld [tilespmem:s26+$0xFFFFFFFC];
	_ =	sdelay $0x4  }
0x29: {  	(v2sf) =	vpush v0, $0x0;
	_ =	sdelay $0xe  }
0x2a: {  	s0 =	spop (v2sf)  }
0x2b: {  	s1 =	smul.u32 $0xFFFD0000, s1;
	s2 =	sshll.u32 s0, $0x8;
	s3 =	sshll.u32 s0, $0x7  }
0x2c: {  	s2 =	sand.u32 $0xF800, s2;
	s3 =	sand.u32 $0x380, s3  }
0x2d: {  	s4 =	sshra.s32 s1, $0x2;
	s19 =	sor.u32 s3, s2  }
0x2e: {  	v0 =	vmov s4;
	v1 =	vld [tilespmem:s19+$0x480];
	_ =	sdelay $0x4  }
0x2f: {  	[tilespmem:v0+s24+$0xFFFFF090 ss:$0x1] =	vst.idx.msk $0xffff, v1  }
0x30: {  	v1 =	vld [tilespmem:s19+$0x490];
	_ =	sdelay $0x4  }
0x31: {  	[tilespmem:v0+s24+$0xFFFFF0A0 ss:$0x1] =	vst.idx.msk $0xffff, v1  }
0x32: {  	v1 =	vld [tilespmem:s19+$0x4A0];
	_ =	sdelay $0x4  }
0x33: {  	[tilespmem:v0+s24+$0xFFFFF0B0 ss:$0x1] =	vst.idx.msk $0xffff, v1  }
0x34: {  	v1 =	vld [tilespmem:s19+$0x4B0];
	_ =	sdelay $0x4  }
0x35: {  	[tilespmem:v0+s24+$0xFFFFF0C0 ss:$0x1] =	vst.idx.msk $0xffff, v1  }
0x36: {  	v1 =	vld [tilespmem:s19+$0x4C0];
	_ =	sdelay $0x4  }
0x37: {  	[tilespmem:v0+s24+$0xFFFFF0D0 ss:$0x1] =	vst.idx.msk $0xffff, v1  }
0x38: {  	v1 =	vld [tilespmem:s19+$0x4D0];
	_ =	sdelay $0x4  }
0x39: {  	[tilespmem:v0+s24+$0xFFFFF0E0 ss:$0x1] =	vst.idx.msk $0xffff, v1  }
0x3a: {  	v1 =	vld [tilespmem:s19+$0x4E0];
	_ =	sdelay $0x4  }
0x3b: {  	[tilespmem:v0+s24+$0xFFFFF0F0 ss:$0x1] =	vst.idx.msk $0xffff, v1  }
0x3c: {  	v1 =	vld [tilespmem:s19+$0x4F0];
	_ =	sdelay $0x4  }
0x3d: {  	[tilespmem:v0+s24+$0xFFFFF100 ss:$0x1] =	vst.idx.msk $0xffff, v1  }
0x3e: {  	v1 =	vld [tilespmem:s19+$0x880];
	_ =	sdelay $0x4  }
0x3f: {  	[tilespmem:v0+s24+$0xFFFFF490 ss:$0x1] =	vst.idx.msk $0xffff, v1  }
0x40: {  	v1 =	vld [tilespmem:s19+$0x890];
	_ =	sdelay $0x4  }
0x41: {  	v2 =	vld [tilespmem:s26+$0x3];
	[tilespmem:v0+s24+$0xFFFFF4A0 ss:$0x1] =	vst.idx.msk $0xffff, v1  }
0x42: {  	v1 =	vld [tilespmem:s19+$0x8A0];
	_ =	sdelay $0x3  }
0x43: {  	(v2sf) =	vpush v2, $0x0  }
0x44: {  	[tilespmem:v0+s24+$0xFFFFF4B0 ss:$0x1] =	vst.idx.msk $0xffff, v1  }
0x45: {  	v1 =	vld [tilespmem:s19+$0x8B0];
	_ =	sdelay $0x4  }
0x46: {  	[tilespmem:v0+s24+$0xFFFFF4C0 ss:$0x1] =	vst.idx.msk $0xffff, v1  }
0x47: {  	v1 =	vld [tilespmem:s19+$0x8C0];
	_ =	sdelay $0x1  }
0x48: {  	v2 =	vld [tilespmem:s26+$0xFFFFFFFD]  }
0x49: {  	v3 =	vld [tilespmem:s26+$0xFFFFFFFE]  }
0x4a: {  	v4 =	vld [tilespmem:s26+$0xFFFFFFFF]  }
0x4b: {  	v5 =	vld [tilespmem:s26+$0x0];
	[tilespmem:v0+s24+$0xFFFFF4D0 ss:$0x1] =	vst.idx.msk $0xffff, v1  }
0x4c: {  	v1 =	vld [tilespmem:s19+$0x8D0]  }
0x4d: {  	(v2sf) =	vpush v2, $0x0;
	s3 =	spop (v2sf)  }
0x4e: {  	v6 =	vld [tilespmem:s26+$0x1];
	(v2sf) =	vpush v3, $0x0;
	s20 =	sshll.u32 s3, $0x8;
	s21 =	sshll.u32 s3, $0x7  }
0x4f: {  	(v2sf) =	vpush v4, $0x0;
	s2 =	sand.u32 $0xF800, s20;
	s4 =	sand.u32 $0x380, s21  }
0x50: {  	v2 =	vld [tilespmem:s26+$0x2];
	s21 =	sor.u32 s4, s2  }
0x51: {  	(v2sf) =	vpush v5, $0x0;
	[tilespmem:v0+s24+$0xFFFFF4E0 ss:$0x1] =	vst.idx.msk $0xffff, v1;
	v1 =	vld [tilespmem:s21+$0x480];
	_ =	sdelay $0x1  }
0x52: {  	(v2sf) =	vpush v6, $0x0;
	s22 =	rddreg [dreg:$0x6]  }
0x53: {  	s20 =	sadd.s32 s5, s22  }
0x54: {  	(v2sf) =	vpush v2, $0x0;
	s13 =	sand.u32 $0xF000, s20  }
0x55: {  	[tilespmem:s13+$0x12A00] =	vst v1  }
0x56: {  	v1 =	vld [tilespmem:s21+$0x490];
	_ =	sdelay $0x4  }
0x57: {  	v2 =	vld [tilespmem:s19+$0x8E0];
	s5 =	spop (v2sf);
	[tilespmem:s13+$0x12A10] =	vst v1  }
0x58: {  	s6 =	spop (v2sf);
	s23 =	sshll.u32 s5, $0x8;
	v1 =	vld [tilespmem:s21+$0x4A0]  }
0x59: {  	s25 =	sshll.u32 s5, $0x7;
	s22 =	spop (v2sf);
	s7 =	sshll.u32 s6, $0x8  }
0x5a: {  	s10 =	sshll.u32 s6, $0x7;
	s2 =	sand.u32 $0xF800, s23;
	s4 =	sand.u32 $0x380, s25  }
0x5b: {  	s8 =	spop (v2sf);
	s12 =	sshll.u32 s22, $0x8;
	s14 =	sshll.u32 s22, $0x7  }
0x5c: {  	s7 =	sand.u32 $0xF800, s7;
	s10 =	sand.u32 $0x380, s10;
	s2 =	sor.u32 s4, s2;
	[tilespmem:v0+s24+$0xFFFFF4F0 ss:$0x1] =	vst.idx.msk $0xffff, v2  }
0x5d: {  	s9 =	spop (v2sf);
	s15 =	sshll.u32 s8, $0x8;
	s16 =	sshll.u32 s8, $0x7;
	v2 =	vld [tilespmem:s19+$0x8F0];
	[tilespmem:s13+$0x12A20] =	vst v1  }
0x5e: {  	s12 =	sand.u32 $0xF800, s12;
	s14 =	sand.u32 $0x380, s14;
	s4 =	sor.u32 s10, s7;
	v1 =	vld [tilespmem:s21+$0x4B0]  }
0x5f: {  	v3 =	vld [tilespmem:s2+$0x480];
	s11 =	spop (v2sf);
	s17 =	sshll.u32 s9, $0x8;
	s18 =	sshll.u32 s9, $0x7  }
0x60: {  	s10 =	sor.u32 s14, s12;
	v4 =	vld [tilespmem:s4+$0x480];
	s17 =	sand.u32 $0xF800, s17;
	s18 =	sand.u32 $0x380, s18  }
0x61: {  	s15 =	sand.u32 $0xF800, s15;
	s16 =	sand.u32 $0x380, s16;
	v5 =	vld [tilespmem:s10+$0x480];
	s17 =	sor.u32 s18, s17  }
0x62: {  	s12 =	sor.u32 s16, s15;
	s19 =	sshll.u32 s11, $0x8;
	s23 =	sshll.u32 s11, $0x7;
	v6 =	vld [tilespmem:s17+$0x480];
	[tilespmem:v0+s24+$0xFFFFF500 ss:$0x1] =	vst.idx.msk $0xffff, v2  }
0x63: {  	s16 =	sadd.s32 $0xFFFFF600, s20;
	s1 =	sand.u32 $0xF800, s19;
	s7 =	sand.u32 $0x380, s23;
	v2 =	vld [tilespmem:s12+$0x480];
	[tilespmem:s13+$0x12A30] =	vst v1  }
0x64: {  	s31 =	sand.u32 $0xF000, s16;
	s14 =	sor.u32 s7, s1;
	[tilespmem:v0+s24+$0xFFFFF110 ss:$0x1] =	vst.idx.msk $0xffff, v3;
	v1 =	vld [tilespmem:s21+$0x4C0]  }
0x65: {  	s1 =	sadd.s32 $0xFFFFFC00, s20;
	v3 =	vld [tilespmem:s14+$0x480];
	[tilespmem:s31+$0x12780] =	vst v4  }
0x66: {  	s15 =	sadd.s32 $0xFFFFFA00, s20;
	s19 =	sand.u32 $0xF000, s1;
	v4 =	vld [tilespmem:s2+$0x490];
	[tilespmem:v0+s24+$0xFFFFF210 ss:$0x1] =	vst.idx.msk $0xffff, v5  }
0x67: {  	s18 =	sand.u32 $0xF000, s15;
	v5 =	vld [tilespmem:s4+$0x490];
	[tilespmem:s19+$0x12900] =	vst v6  }
0x68: {  	s25 =	sadd.s32 $0xFFFFFE00, s20;
	[tilespmem:s18+$0x12880] =	vst v2;
	v2 =	vld [tilespmem:s10+$0x490]  }
0x69: {  	s25 =	sand.u32 $0xF000, s25;
	v6 =	vld [tilespmem:s12+$0x490];
	[tilespmem:s13+$0x12A40] =	vst v1  }
0x6a: {  	[tilespmem:s25+$0x12980] =	vst v3;
	v1 =	vld [tilespmem:s21+$0x4D0]  }
0x6b: {  	v3 =	vld [tilespmem:s17+$0x490];
	[tilespmem:v0+s24+$0xFFFFF120 ss:$0x1] =	vst.idx.msk $0xffff, v4  }
0x6c: {  	v4 =	vld [tilespmem:s14+$0x490];
	[tilespmem:s31+$0x12790] =	vst v5  }
0x6d: {  	v5 =	vld [tilespmem:s2+$0x4A0];
	[tilespmem:v0+s24+$0xFFFFF220 ss:$0x1] =	vst.idx.msk $0xffff, v2  }
0x6e: {  	v2 =	vld [tilespmem:s4+$0x4A0];
	[tilespmem:s18+$0x12890] =	vst v6  }
0x6f: {  	v6 =	vld [tilespmem:s10+$0x4A0];
	[tilespmem:s13+$0x12A50] =	vst v1  }
0x70: {  	[tilespmem:s19+$0x12910] =	vst v3;
	v1 =	vld [tilespmem:s21+$0x4E0]  }
0x71: {  	[tilespmem:s25+$0x12990] =	vst v4;
	v4 =	vld [tilespmem:s17+$0x4A0]  }
0x72: {  	[tilespmem:v0+s24+$0xFFFFF130 ss:$0x1] =	vst.idx.msk $0xffff, v5;
	v3 =	vld [tilespmem:s12+$0x4A0]  }
0x73: {  	v5 =	vld [tilespmem:s2+$0x4B0];
	[tilespmem:s31+$0x127A0] =	vst v2  }
0x74: {  	v2 =	vld [tilespmem:s14+$0x4A0];
	[tilespmem:v0+s24+$0xFFFFF230 ss:$0x1] =	vst.idx.msk $0xffff, v6  }
0x75: {  	v6 =	vld [tilespmem:s4+$0x4B0];
	[tilespmem:s13+$0x12A60] =	vst v1  }
0x76: {  	[tilespmem:s19+$0x12920] =	vst v4;
	v1 =	vld [tilespmem:s21+$0x4F0]  }
0x77: {  	[tilespmem:s18+$0x128A0] =	vst v3;
	v3 =	vld [tilespmem:s10+$0x4B0]  }
0x78: {  	[tilespmem:v0+s24+$0xFFFFF140 ss:$0x1] =	vst.idx.msk $0xffff, v5;
	v4 =	vld [tilespmem:s12+$0x4B0]  }
0x79: {  	[tilespmem:s25+$0x129A0] =	vst v2;
	v2 =	vld [tilespmem:s17+$0x4B0]  }
0x7a: {  	[tilespmem:s31+$0x127B0] =	vst v6;
	v5 =	vld [tilespmem:s14+$0x4B0]  }
0x7b: {  	v6 =	vld [tilespmem:s2+$0x4C0];
	[tilespmem:s13+$0x12A70] =	vst v1  }
0x7c: {  	[tilespmem:v0+s24+$0xFFFFF240 ss:$0x1] =	vst.idx.msk $0xffff, v3;
	v1 =	vld [tilespmem:s21+$0x880]  }
0x7d: {  	v3 =	vld [tilespmem:s4+$0x4C0];
	[tilespmem:s18+$0x128B0] =	vst v4  }
0x7e: {  	v4 =	vld [tilespmem:s10+$0x4C0];
	[tilespmem:s19+$0x12930] =	vst v2  }
0x7f: {  	v2 =	vld [tilespmem:s12+$0x4C0];
	[tilespmem:s25+$0x129B0] =	vst v5  }
0x80: {  	[tilespmem:v0+s24+$0xFFFFF150 ss:$0x1] =	vst.idx.msk $0xffff, v6;
	v5 =	vld [tilespmem:s17+$0x4C0]  }
0x81: {  	v6 =	vld [tilespmem:s14+$0x4C0];
	[tilespmem:s13+$0x12E00] =	vst v1  }
0x82: {  	[tilespmem:s31+$0x127C0] =	vst v3;
	v1 =	vld [tilespmem:s21+$0x890]  }
0x83: {  	v3 =	vld [tilespmem:s2+$0x4D0];
	[tilespmem:v0+s24+$0xFFFFF250 ss:$0x1] =	vst.idx.msk $0xffff, v4  }
0x84: {  	v4 =	vld [tilespmem:s4+$0x4D0];
	[tilespmem:s18+$0x128C0] =	vst v2  }
0x85: {  	v2 =	vld [tilespmem:s10+$0x4D0];
	[tilespmem:s19+$0x12940] =	vst v5  }
0x86: {  	v5 =	vld [tilespmem:s12+$0x4D0];
	[tilespmem:s25+$0x129C0] =	vst v6  }
0x87: {  	v6 =	vld [tilespmem:s17+$0x4D0];
	[tilespmem:s13+$0x12E10] =	vst v1  }
0x88: {  	[tilespmem:v0+s24+$0xFFFFF160 ss:$0x1] =	vst.idx.msk $0xffff, v3;
	v1 =	vld [tilespmem:s21+$0x8A0]  }
0x89: {  	v3 =	vld [tilespmem:s14+$0x4D0];
	[tilespmem:s31+$0x127D0] =	vst v4  }
0x8a: {  	v4 =	vld [tilespmem:s2+$0x4E0];
	[tilespmem:v0+s24+$0xFFFFF260 ss:$0x1] =	vst.idx.msk $0xffff, v2  }
0x8b: {  	v2 =	vld [tilespmem:s4+$0x4E0];
	[tilespmem:s18+$0x128D0] =	vst v5  }
0x8c: {  	v5 =	vld [tilespmem:s10+$0x4E0];
	[tilespmem:s19+$0x12950] =	vst v6  }
0x8d: {  	v6 =	vld [tilespmem:s12+$0x4E0];
	[tilespmem:s13+$0x12E20] =	vst v1  }
0x8e: {  	[tilespmem:s25+$0x129D0] =	vst v3;
	v1 =	vld [tilespmem:s21+$0x8B0]  }
0x8f: {  	v3 =	vld [tilespmem:s17+$0x4E0];
	[tilespmem:v0+s24+$0xFFFFF170 ss:$0x1] =	vst.idx.msk $0xffff, v4  }
0x90: {  	v4 =	vld [tilespmem:s2+$0x4F0];
	[tilespmem:s31+$0x127E0] =	vst v2  }
0x91: {  	v2 =	vld [tilespmem:s14+$0x4E0];
	[tilespmem:v0+s24+$0xFFFFF270 ss:$0x1] =	vst.idx.msk $0xffff, v5  }
0x92: {  	v5 =	vld [tilespmem:s4+$0x4F0];
	[tilespmem:s18+$0x128E0] =	vst v6  }
0x93: {  	v6 =	vld [tilespmem:s10+$0x4F0];
	[tilespmem:s13+$0x12E30] =	vst v1  }
0x94: {  	[tilespmem:s19+$0x12960] =	vst v3;
	v1 =	vld [tilespmem:s21+$0x8C0]  }
0x95: {  	v3 =	vld [tilespmem:s12+$0x4F0];
	[tilespmem:v0+s24+$0xFFFFF180 ss:$0x1] =	vst.idx.msk $0xffff, v4  }
0x96: {  	[tilespmem:s25+$0x129E0] =	vst v2;
	v2 =	vld [tilespmem:s17+$0x4F0]  }
0x97: {  	[tilespmem:s31+$0x127F0] =	vst v5;
	v4 =	vld [tilespmem:s14+$0x4F0]  }
0x98: {  	v5 =	vld [tilespmem:s2+$0x880];
	[tilespmem:v0+s24+$0xFFFFF280 ss:$0x1] =	vst.idx.msk $0xffff, v6  }
0x99: {  	v6 =	vld [tilespmem:s4+$0x880];
	[tilespmem:s13+$0x12E40] =	vst v1  }
0x9a: {  	[tilespmem:s18+$0x128F0] =	vst v3;
	v1 =	vld [tilespmem:s21+$0x8D0]  }
0x9b: {  	v3 =	vld [tilespmem:s10+$0x880];
	[tilespmem:s19+$0x12970] =	vst v2  }
0x9c: {  	v2 =	vld [tilespmem:s12+$0x880];
	[tilespmem:s25+$0x129F0] =	vst v4  }
0x9d: {  	[tilespmem:v0+s24+$0xFFFFF510 ss:$0x1] =	vst.idx.msk $0xffff, v5;
	v4 =	vld [tilespmem:s17+$0x880]  }
0x9e: {  	[tilespmem:v0+s24+$0xFFFFF590 ss:$0x1] =	vst.idx.msk $0xffff, v6;
	v5 =	vld [tilespmem:s14+$0x880]  }
0x9f: {  	v6 =	vld [tilespmem:s2+$0x890];
	[tilespmem:s13+$0x12E50] =	vst v1  }
0xa0: {  	[tilespmem:v0+s24+$0xFFFFF610 ss:$0x1] =	vst.idx.msk $0xffff, v3;
	v1 =	vld [tilespmem:s21+$0x8E0]  }
0xa1: {  	v3 =	vld [tilespmem:s4+$0x890];
	[tilespmem:s18+$0x12C80] =	vst v2  }
0xa2: {  	v2 =	vld [tilespmem:s10+$0x890];
	[tilespmem:s19+$0x12D00] =	vst v4  }
0xa3: {  	v4 =	vld [tilespmem:s12+$0x890];
	[tilespmem:s25+$0x12D80] =	vst v5  }
0xa4: {  	[tilespmem:v0+s24+$0xFFFFF520 ss:$0x1] =	vst.idx.msk $0xffff, v6;
	v5 =	vld [tilespmem:s17+$0x890]  }
0xa5: {  	v6 =	vld [tilespmem:s14+$0x890];
	[tilespmem:s13+$0x12E60] =	vst v1  }
0xa6: {  	[tilespmem:v0+s24+$0xFFFFF5A0 ss:$0x1] =	vst.idx.msk $0xffff, v3;
	v1 =	vld [tilespmem:s21+$0x8F0]  }
0xa7: {  	v3 =	vld [tilespmem:s2+$0x8A0];
	[tilespmem:v0+s24+$0xFFFFF620 ss:$0x1] =	vst.idx.msk $0xffff, v2  }
0xa8: {  	v2 =	vld [tilespmem:s4+$0x8A0];
	[tilespmem:s18+$0x12C90] =	vst v4  }
0xa9: {  	v4 =	vld [tilespmem:s10+$0x8A0];
	[tilespmem:s19+$0x12D10] =	vst v5  }
0xaa: {  	s23 =	sshrl.u32 s3, $0x1;
	v5 =	vld [tilespmem:s12+$0x8A0];
	[tilespmem:s25+$0x12D90] =	vst v6  }
0xab: {  	s7 =	sand.u32 $0x7F80, s23;
	v6 =	vld [tilespmem:s17+$0x8A0];
	[tilespmem:s13+$0x12E70] =	vst v1  }
0xac: {  	[tilespmem:v0+s24+$0xFFFFF530 ss:$0x1] =	vst.idx.msk $0xffff, v3;
	v1 =	vld [tilespmem:s7+$0x10480]  }
0xad: {  	v3 =	vld [tilespmem:s14+$0x8A0];
	[tilespmem:v0+s24+$0xFFFFF5B0 ss:$0x1] =	vst.idx.msk $0xffff, v2  }
0xae: {  	v2 =	vld [tilespmem:s2+$0x8B0];
	[tilespmem:v0+s24+$0xFFFFF630 ss:$0x1] =	vst.idx.msk $0xffff, v4  }
0xaf: {  	v4 =	vld [tilespmem:s4+$0x8B0];
	[tilespmem:s18+$0x12CA0] =	vst v5  }
0xb0: {  	v5 =	vld [tilespmem:s10+$0x8B0];
	[tilespmem:s19+$0x12D20] =	vst v6  }
0xb1: {  	v6 =	vld [tilespmem:s12+$0x8B0];
	[tilespmem:s13+$0x13200] =	vst v1  }
0xb2: {  	[tilespmem:s25+$0x12DA0] =	vst v3;
	v1 =	vld [tilespmem:s7+$0x10490]  }
0xb3: {  	v3 =	vld [tilespmem:s17+$0x8B0];
	[tilespmem:v0+s24+$0xFFFFF540 ss:$0x1] =	vst.idx.msk $0xffff, v2  }
0xb4: {  	v2 =	vld [tilespmem:s14+$0x8B0];
	[tilespmem:v0+s24+$0xFFFFF5C0 ss:$0x1] =	vst.idx.msk $0xffff, v4  }
0xb5: {  	v4 =	vld [tilespmem:s2+$0x8C0];
	[tilespmem:v0+s24+$0xFFFFF640 ss:$0x1] =	vst.idx.msk $0xffff, v5  }
0xb6: {  	v5 =	vld [tilespmem:s4+$0x8C0];
	[tilespmem:s18+$0x12CB0] =	vst v6  }
0xb7: {  	v6 =	vld [tilespmem:s10+$0x8C0];
	[tilespmem:s13+$0x13210] =	vst v1  }
0xb8: {  	[tilespmem:s19+$0x12D30] =	vst v3;
	v1 =	vld [tilespmem:s7+$0x104A0]  }
0xb9: {  	v3 =	vld [tilespmem:s12+$0x8C0];
	[tilespmem:s25+$0x12DB0] =	vst v2  }
0xba: {  	v2 =	vld [tilespmem:s17+$0x8C0];
	[tilespmem:v0+s24+$0xFFFFF550 ss:$0x1] =	vst.idx.msk $0xffff, v4  }
0xbb: {  	v4 =	vld [tilespmem:s14+$0x8C0];
	[tilespmem:v0+s24+$0xFFFFF5D0 ss:$0x1] =	vst.idx.msk $0xffff, v5  }
0xbc: {  	v5 =	vld [tilespmem:s2+$0x8D0];
	[tilespmem:v0+s24+$0xFFFFF650 ss:$0x1] =	vst.idx.msk $0xffff, v6  }
0xbd: {  	v6 =	vld [tilespmem:s4+$0x8D0];
	[tilespmem:s13+$0x13220] =	vst v1  }
0xbe: {  	[tilespmem:s18+$0x12CC0] =	vst v3;
	v1 =	vld [tilespmem:s7+$0x104B0]  }
0xbf: {  	v3 =	vld [tilespmem:s10+$0x8D0];
	[tilespmem:s19+$0x12D40] =	vst v2  }
0xc0: {  	v2 =	vld [tilespmem:s17+$0x8D0];
	[tilespmem:s25+$0x12DC0] =	vst v4  }
0xc1: {  	v4 =	vld [tilespmem:s12+$0x8D0];
	[tilespmem:v0+s24+$0xFFFFF560 ss:$0x1] =	vst.idx.msk $0xffff, v5  }
0xc2: {  	v5 =	vld [tilespmem:s14+$0x8D0];
	[tilespmem:v0+s24+$0xFFFFF5E0 ss:$0x1] =	vst.idx.msk $0xffff, v6  }
0xc3: {  	v6 =	vld [tilespmem:s2+$0x8E0];
	[tilespmem:s13+$0x13230] =	vst v1  }
0xc4: {  	[tilespmem:v0+s24+$0xFFFFF660 ss:$0x1] =	vst.idx.msk $0xffff, v3;
	v1 =	vld [tilespmem:s7+$0x104C0]  }
0xc5: {  	v3 =	vld [tilespmem:s4+$0x8E0];
	[tilespmem:s19+$0x12D50] =	vst v2  }
0xc6: {  	[tilespmem:s18+$0x12CD0] =	vst v4;
	v2 =	vld [tilespmem:s17+$0x8E0]  }
0xc7: {  	v4 =	vld [tilespmem:s10+$0x8E0];
	[tilespmem:s25+$0x12DD0] =	vst v5  }
0xc8: {  	v5 =	vld [tilespmem:s12+$0x8E0];
	[tilespmem:v0+s24+$0xFFFFF570 ss:$0x1] =	vst.idx.msk $0xffff, v6  }
0xc9: {  	v6 =	vld [tilespmem:s14+$0x8E0];
	[tilespmem:s13+$0x13240] =	vst v1  }
0xca: {  	[tilespmem:v0+s24+$0xFFFFF5F0 ss:$0x1] =	vst.idx.msk $0xffff, v3;
	v1 =	vld [tilespmem:s7+$0x104D0]  }
0xcb: {  	v3 =	vld [tilespmem:s2+$0x8F0];
	[tilespmem:s19+$0x12D60] =	vst v2  }
0xcc: {  	[tilespmem:v0+s24+$0xFFFFF670 ss:$0x1] =	vst.idx.msk $0xffff, v4;
	v2 =	vld [tilespmem:s17+$0x8F0]  }
0xcd: {  	v4 =	vld [tilespmem:s4+$0x8F0];
	[tilespmem:s18+$0x12CE0] =	vst v5  }
0xce: {  	v5 =	vld [tilespmem:s10+$0x8F0];
	[tilespmem:s25+$0x12DE0] =	vst v6  }
0xcf: {  	v6 =	vld [tilespmem:s12+$0x8F0];
	[tilespmem:s13+$0x13250] =	vst v1  }
0xd0: {  	s4 =	sshrl.u32 s9, $0x1;
	[tilespmem:v0+s24+$0xFFFFF580 ss:$0x1] =	vst.idx.msk $0xffff, v3;
	v1 =	vld [tilespmem:s7+$0x104E0]  }
0xd1: {  	s2 =	sand.u32 $0x7F80, s4;
	s10 =	sshrl.u32 s5, $0x1;
	v3 =	vld [tilespmem:s14+$0x8F0];
	[tilespmem:s19+$0x12D70] =	vst v2  }
0xd2: {  	s12 =	sshrl.u32 s6, $0x1;
	s23 =	sand.u32 $0x7F80, s10;
	[tilespmem:v0+s24+$0xFFFFF600 ss:$0x1] =	vst.idx.msk $0xffff, v4;
	v2 =	vld [tilespmem:s2+$0x10480]  }
0xd3: {  	s17 =	sshrl.u32 s22, $0x1;
	s14 =	sand.u32 $0x7F80, s12;
	v4 =	vld [tilespmem:s23+$0x10480];
	[tilespmem:v0+s24+$0xFFFFF680 ss:$0x1] =	vst.idx.msk $0xffff, v5  }
0xd4: {  	s4 =	sand.u32 $0x7F80, s17;
	v5 =	vld [tilespmem:s14+$0x10480];
	[tilespmem:s18+$0x12CF0] =	vst v6  }
0xd5: {  	v6 =	vld [tilespmem:s4+$0x10480];
	[tilespmem:s13+$0x13260] =	vst v1  }
0xd6: {  	s21 =	smul.u32 $0xAB, s28;
	s19 =	sor.u32 $0xA80, s1;
	[tilespmem:s25+$0x12DF0] =	vst v3;
	v1 =	vld [tilespmem:s7+$0x104F0]  }
0xd7: {  	s17 =	sshrl.u32 s8, $0x1;
	[tilespmem:s19+$0x12680] =	vst v2  }
0xd8: {  	s21 =	sshrl.u32 s21, $0x9;
	s10 =	sand.u32 $0x7F80, s17;
	s17 =	sshrl.u32 s0, $0x1;
	[tilespmem:v0+s24+$0xFFFFF910 ss:$0x1] =	vst.idx.msk $0xffff, v4;
	v2 =	vld [tilespmem:s2+$0x10490]  }
0xd9: {  	s17 =	sand.u32 $0x7F80, s17;
	s18 =	sand.u32 $0x7F, s21;
	v3 =	vld [tilespmem:s10+$0x10480];
	[tilespmem:s31+$0x12F80] =	vst v5;
	s19 =	sshrl.u32 s11, $0x1  }
0xda: {  	v5 =	vld [tilespmem:s17+$0x10480];
	[tilespmem:v0+s24+$0xFFFFFA10 ss:$0x1] =	vst.idx.msk $0xffff, v6;
	s12 =	sand.u32 $0x7F80, s19;
	s7 =	smul.u32 $0x3, s18  }
0xdb: {  	s3 =	sshra.s32 s3, $0x9;
	v4 =	vld [tilespmem:s12+$0x10480];
	[tilespmem:s13+$0x13270] =	vst v1  }
0xdc: {  	v6 =	vld [tilespmem:s23+$0x10490];
	s19 =	sor.u32 $0xA90, s1;
	s21 =	ssub.s32 s28, s7;
	[smem:$0x7F5] =	sst s28  }
0xdd: {  	s13 =	sand.u32 $0xFFFFFF80, s3;
	s3 =	sand.u32 $0xFF, s21;
	[tilespmem:s19+$0x12680] =	vst v2  }
0xde: {  	v1 =	vld [tilespmem:s13+$0x10680];
	[smem:$0x7F6] =	sst s3  }
0xdf: {  	[tilespmem:v0+s24+$0xFFFFFA90 ss:$0x1] =	vst.idx.msk $0xffff, v3  }
0xe0: {  	v2 =	vld [tilespmem:s2+$0x104A0];
	[tilespmem:s25+$0x13180] =	vst v4  }
0xe1: {  	s5 =	sshra.s32 s5, $0x9;
	s7 =	sshra.s32 s22, $0x9;
	s19 =	sshra.s32 s9, $0x9;
	v3 =	vld [tilespmem:s14+$0x10490];
	[tilespmem:v0+s24+$0xFFFFF890 ss:$0x1] =	vst.idx.msk $0xffff, v5  }
0xe2: {  	s8 =	sshra.s32 s8, $0x9;
	s28 =	sand.u32 $0xFFFFFF80, s7;
	s7 =	sand.u32 $0xFFFFFF80, s19;
	v4 =	vld [tilespmem:s4+$0x10490];
	[tilespmem:v0+s24+$0xFFFFF920 ss:$0x1] =	vst.idx.msk $0xffff, v6  }
0xe3: {  	s22 =	sor.u32 $0xF80, s20;
	s21 =	sshra.s32 s11, $0x9;
	v5 =	vld [tilespmem:s10+$0x10490];
	[dreg:$0xe] =	wrdreg s7  }
0xe4: {  	s11 =	sand.u32 $0xFFFFFF80, s5;
	s5 =	sand.u32 $0xFFFFFF80, s8;
	s8 =	sor.u32 $0xD00, s16;
	[tilespmem:s22+$0x12680] =	vst v1  }
0xe5: {  	s0 =	sshra.s32 s0, $0x9;
	s19 =	sor.u32 $0xD10, s16;
	v6 =	vld [tilespmem:s12+$0x10490];
	[dreg:$0x1a] =	wrdreg s8  }
0xe6: {  	s29 =	sand.u32 $0xFFFFFF80, s0;
	s0 =	sor.u32 $0xAA0, s1;
	[dreg:$0x16] =	wrdreg s19  }
0xe7: {  	s22 =	sand.u32 $0xFFFFFF80, s21;
	s21 =	sor.u32 $0xD20, s16;
	[tilespmem:s0+$0x12680] =	vst v2  }
0xe8: {  	s3 =	sor.u32 $0xD30, s16;
	v1 =	vld [tilespmem:s17+$0x10490];
	[dreg:$0x14] =	wrdreg s21  }
0xe9: {  	s6 =	sshra.s32 s6, $0x9;
	[dreg:$0x11] =	wrdreg s3  }
0xea: {  	s18 =	sand.u32 $0xFFFFFF80, s6;
	s6 =	sor.u32 $0xD60, s16;
	[tilespmem:s31+$0x12F90] =	vst v3  }
0xeb: {  	s7 =	sor.u32 $0xD70, s16;
	v2 =	vld [tilespmem:s23+$0x104A0];
	[dreg:$0x9] =	wrdreg s6  }
0xec: {  	[dreg:$0x7] =	wrdreg s7  }
0xed: {  	[tilespmem:v0+s24+$0xFFFFFA20 ss:$0x1] =	vst.idx.msk $0xffff, v4  }
0xee: {  	s8 =	sor.u32 $0xE00, s15;
	v3 =	vld [tilespmem:s14+$0x104A0];
	[tilespmem:v0+s24+$0xFFFFFAA0 ss:$0x1] =	vst.idx.msk $0xffff, v5  }
0xef: {  	s9 =	sor.u32 $0xE10, s15;
	s19 =	sor.u32 $0xD50, s16;
	v5 =	vld [tilespmem:s4+$0x104A0];
	[dreg:$0x1b] =	wrdreg s8  }
0xf0: {  	s21 =	sor.u32 $0xD40, s16;
	s16 =	sor.u32 $0xE20, s15;
	[dreg:$0x18] =	wrdreg s9  }
0xf1: {  	[dreg:$0x15] =	wrdreg s16  }
0xf2: {  	s3 =	sor.u32 $0xE30, s15;
	[tilespmem:s25+$0x13190] =	vst v6  }
0xf3: {  	s6 =	sor.u32 $0xE40, s15;
	v6 =	vld [tilespmem:s10+$0x104A0];
	[dreg:$0x12] =	wrdreg s3  }
0xf4: {  	s7 =	sor.u32 $0xE50, s15;
	[dreg:$0xf] =	wrdreg s6  }
0xf5: {  	[dreg:$0xd] =	wrdreg s7  }
0xf6: {  	[tilespmem:v0+s24+$0xFFFFF8A0 ss:$0x1] =	vst.idx.msk $0xffff, v1  }
0xf7: {  	s30 =	sor.u32 $0xE70, s15;
	s8 =	sor.u32 $0xAD0, s1;
	v7 =	vld [tilespmem:s12+$0x104A0];
	[tilespmem:v0+s24+$0xFFFFF930 ss:$0x1] =	vst.idx.msk $0xffff, v2  }
0xf8: {  	s9 =	sor.u32 $0xE60, s15;
	s15 =	sor.u32 $0xAE0, s1;
	v4 =	vld [tilespmem:s13+$0x10690];
	[dreg:$0x1f] =	wrdreg s8  }
0xf9: {  	[dreg:$0x1e] =	wrdreg s15  }
0xfa: {  	s16 =	sor.u32 $0xAF0, s1;
	[tilespmem:s31+$0x12FA0] =	vst v3  }
0xfb: {  	s3 =	sor.u32 $0xE80, s1;
	v1 =	vld [tilespmem:s17+$0x104A0];
	[dreg:$0x1d] =	wrdreg s16  }
0xfc: {  	s8 =	sor.u32 $0xE90, s1;
	[dreg:$0x1c] =	wrdreg s3  }
0xfd: {  	[dreg:$0x19] =	wrdreg s8  }
0xfe: {  	s15 =	sor.u32 $0xEA0, s1;
	[tilespmem:v0+s24+$0xFFFFFA30 ss:$0x1] =	vst.idx.msk $0xffff, v5  }
0xff: {  	s16 =	sor.u32 $0xEB0, s1;
	v2 =	vld [tilespmem:s23+$0x104B0];
	[dreg:$0x17] =	wrdreg s15  }
0x100: {  	s3 =	sor.u32 $0xEC0, s1;
	[dreg:$0x13] =	wrdreg s16  }
0x101: {  	s8 =	sor.u32 $0xEE0, s1;
	[dreg:$0x10] =	wrdreg s3  }
0x102: {  	[dreg:$0xa] =	wrdreg s8;
	s16 =	sor.u32 $0xEF0, s1  }
0x103: {  	[dreg:$0x8] =	wrdreg s16  }
0x104: {  	[tilespmem:v0+s24+$0xFFFFFAB0 ss:$0x1] =	vst.idx.msk $0xffff, v6  }
0x105: {  	v5 =	vld [tilespmem:s14+$0x104B0];
	[tilespmem:s25+$0x131A0] =	vst v7  }
0x106: {  	v3 =	vld [tilespmem:s4+$0x104B0];
	[smem:$0x7F7] =	sst s26  }
0x107: {  	s0 =	sor.u32 $0xF90, s20;
	s8 =	sadd.s32 $0x8, s26;
	s26 =	sld [smem:$0x7F9]  }
0x108: {  	s7 =	sor.u32 $0xAB0, s1;
	s6 =	sor.u32 $0xAC0, s1;
	s15 =	sor.u32 $0xED0, s1  }
0x109: {  	s1 =	simm.s32 $0x0;
	s3 =	smov.u32 s24;
	[smem:$0x7F8] =	sst s24  }
0x10a: {  	s16 =	smov.u32 s24;
	s24 =	smov.u32 s5;
	[dreg:$0xc] =	wrdreg s26  }
.LBB2_3:
0x10b: {  	_ = 	snop  }
0x10c: {  	v6 =	vld [tilespmem:s8+$0xFFFFFFFC];
	_ =	sdelay $0x1  }
0x10d: {  	[tilespmem:v0+s3+$0xFFFFF940 ss:$0x1] =	vst.idx.msk $0xffff, v2;
	v2 =	vld [tilespmem:s10+$0x104B0]  }
0x10e: {  	[tilespmem:s0+$0x12680] =	vst v4;
	v4 =	vld [tilespmem:s2+$0x104B0]  }
0x10f: {  	[tilespmem:v0+s3+$0xFFFFFA40 ss:$0x1] =	vst.idx.msk $0xffff, v3;
	v3 =	vld [tilespmem:s12+$0x104B0]  }
0x110: {  	[tilespmem:v0+s3+$0xFFFFF8B0 ss:$0x1] =	vst.idx.msk $0xffff, v1;
	v1 =	vld [tilespmem:s13+$0x106A0];
	(v2sf) =	vpush v6, $0x0  }
0x111: {  	[tilespmem:s31+$0x12FB0] =	vst v5;
	v5 =	vld [tilespmem:s17+$0x104B0]  }
0x112: {  	v6 =	vld [tilespmem:s23+$0x104C0];
	[tilespmem:v0+s3+$0xFFFFFAC0 ss:$0x1] =	vst.idx.msk $0xffff, v2  }
0x113: {  	v2 =	vld [tilespmem:s14+$0x104C0];
	[tilespmem:s7+$0x12680] =	vst v4  }
0x114: {  	s5 =	sor.u32 $0xFA0, s20;
	v4 =	vld [tilespmem:s4+$0x104C0];
	[tilespmem:s25+$0x131B0] =	vst v3  }
0x115: {  	[tilespmem:s5+$0x12680] =	vst v1;
	v3 =	vld [tilespmem:s10+$0x104C0]  }
0x116: {  	[tilespmem:v0+s3+$0xFFFFF8C0 ss:$0x1] =	vst.idx.msk $0xffff, v5;
	v1 =	vld [tilespmem:s13+$0x106B0]  }
0x117: {  	[tilespmem:v0+s3+$0xFFFFF950 ss:$0x1] =	vst.idx.msk $0xffff, v6;
	v5 =	vld [tilespmem:s2+$0x104C0]  }
0x118: {  	v6 =	vld [tilespmem:s12+$0x104C0];
	[tilespmem:s31+$0x12FC0] =	vst v2  }
0x119: {  	v2 =	vld [tilespmem:s17+$0x104C0];
	[tilespmem:v0+s3+$0xFFFFFA50 ss:$0x1] =	vst.idx.msk $0xffff, v4  }
0x11a: {  	s7 =	sor.u32 $0xFB0, s20;
	v4 =	vld [tilespmem:s23+$0x104D0];
	[tilespmem:v0+s3+$0xFFFFFAD0 ss:$0x1] =	vst.idx.msk $0xffff, v3  }
0x11b: {  	v3 =	vld [tilespmem:s14+$0x104D0];
	[tilespmem:s7+$0x12680] =	vst v1  }
0x11c: {  	[tilespmem:s6+$0x12680] =	vst v5;
	v1 =	vld [tilespmem:s13+$0x106C0]  }
0x11d: {  	v5 =	vld [tilespmem:s4+$0x104D0];
	[tilespmem:s25+$0x131C0] =	vst v6  }
0x11e: {  	s1 =	sadd.s32 $0x8, s1;
	v6 =	vld [tilespmem:s10+$0x104D0];
	[tilespmem:v0+s3+$0xFFFFF8D0 ss:$0x1] =	vst.idx.msk $0xffff, v2  }
0x11f: {  	s26 =	sor.u32 $0xFC0, s20;
	[dreg:$0xb] =	wrdreg s1;
	[tilespmem:v0+s3+$0xFFFFF960 ss:$0x1] =	vst.idx.msk $0xffff, v4;
	v2 =	vld [tilespmem:s2+$0x104D0];
	s5 =	spop (v2sf)  }
0x120: {  	p0 =	slt.u32 s1, $0x18;
	[tilespmem:s31+$0x12FD0] =	vst v3;
	v3 =	vld [tilespmem:s12+$0x104D0];
	s1 =	sshll.u32 s5, $0x8;
	s6 =	sshll.u32 s5, $0x7  }
0x121: {  	v4 =	vld [tilespmem:s17+$0x104D0];
	[tilespmem:s26+$0x12680] =	vst v1;
	s0 =	sand.u32 $0xF800, s1;
	s26 =	sand.u32 $0x380, s6  }
0x122: {  	[tilespmem:v0+s3+$0xFFFFFA60 ss:$0x1] =	vst.idx.msk $0xffff, v5;
	v1 =	vld [tilespmem:s13+$0x106D0];
	s0 =	sor.u32 s26, s0  }
0x123: {  	[tilespmem:v0+s3+$0xFFFFFAE0 ss:$0x1] =	vst.idx.msk $0xffff, v6;
	s6 =	rddreg [dreg:$0x1f];
	v6 =	vld [tilespmem:s0+$0x480]  }
0x124: {  	v5 =	vld [tilespmem:s23+$0x104E0];
	[tilespmem:s6+$0x12680] =	vst v2  }
0x125: {  	v2 =	vld [tilespmem:s14+$0x104E0];
	[tilespmem:s25+$0x131D0] =	vst v3  }
0x126: {  	s26 =	sor.u32 $0xFD0, s20;
	[tilespmem:v0+s3+$0xFFFFF8E0 ss:$0x1] =	vst.idx.msk $0xffff, v4;
	v3 =	vld [tilespmem:s4+$0x104E0]  }
0x127: {  	v4 =	vld [tilespmem:s10+$0x104E0];
	s3 =	sadd.s32 $0x1000, s3;
	[tilespmem:s26+$0x12680] =	vst v1  }
0x128: {  	v1 =	vld [tilespmem:s13+$0x106E0];
	[tilespmem:v0+s3+$0xFFFFF090 ss:$0x1] =	vst.idx.msk $0xffff, v6  }
0x129: {  	[tilespmem:v0+s16+$0xFFFFF970 ss:$0x1] =	vst.idx.msk $0xffff, v5;
	v6 =	vld [tilespmem:s0+$0x490]  }
0x12a: {  	v5 =	vld [tilespmem:s2+$0x104E0];
	[tilespmem:s31+$0x12FE0] =	vst v2  }
0x12b: {  	s7 =	sshrl.u32 s5, $0x1;
	v2 =	vld [tilespmem:s12+$0x104E0];
	[tilespmem:v0+s16+$0xFFFFFA70 ss:$0x1] =	vst.idx.msk $0xffff, v3  }
0x12c: {  	s1 =	sand.u32 $0x7F80, s7;
	s7 =	sor.u32 $0xFE0, s20;
	[tilespmem:v0+s16+$0xFFFFFAF0 ss:$0x1] =	vst.idx.msk $0xffff, v4;
	v4 =	vld [tilespmem:s23+$0x104F0]  }
0x12d: {  	v3 =	vld [tilespmem:s17+$0x104E0];
	[tilespmem:s7+$0x12680] =	vst v1  }
0x12e: {  	s23 =	rddreg [dreg:$0x1e];
	v1 =	vld [tilespmem:s13+$0x106F0];
	[tilespmem:v0+s3+$0xFFFFF0A0 ss:$0x1] =	vst.idx.msk $0xffff, v6  }
0x12f: {  	[tilespmem:s23+$0x12680] =	vst v5;
	v6 =	vld [tilespmem:s0+$0x4A0]  }
0x130: {  	v5 =	vld [tilespmem:s14+$0x104F0];
	[tilespmem:s25+$0x131E0] =	vst v2  }
0x131: {  	v2 =	vld [tilespmem:s10+$0x104F0];
	[tilespmem:v0+s16+$0xFFFFF980 ss:$0x1] =	vst.idx.msk $0xffff, v4  }
0x132: {  	s26 =	sor.u32 $0xFF0, s20;
	v4 =	vld [tilespmem:s12+$0x104F0];
	[tilespmem:v0+s16+$0xFFFFF8F0 ss:$0x1] =	vst.idx.msk $0xffff, v3  }
0x133: {  	v3 =	vld [tilespmem:s2+$0x104F0];
	[tilespmem:s26+$0x12680] =	vst v1  }
0x134: {  	s5 =	sshra.s32 s5, $0x9;
	v1 =	vld [tilespmem:s4+$0x104F0];
	[tilespmem:v0+s3+$0xFFFFF0B0 ss:$0x1] =	vst.idx.msk $0xffff, v6  }
0x135: {  	s5 =	sand.u32 $0xFFFFFF80, s5;
	[tilespmem:s31+$0x12FF0] =	vst v5;
	v5 =	vld [tilespmem:s17+$0x104F0]  }
0x136: {  	[smem:$0x7E9] =	sst s5;
	[tilespmem:v0+s16+$0xFFFFFB00 ss:$0x1] =	vst.idx.msk $0xffff, v2;
	v6 =	vld [tilespmem:s0+$0x4B0]  }
0x137: {  	s5 =	rddreg [dreg:$0x1d];
	[tilespmem:s25+$0x131F0] =	vst v4  }
0x138: {  	v2 =	vld [tilespmem:s18+$0x10680];
	[tilespmem:s5+$0x12680] =	vst v3  }
0x139: {  	[tilespmem:v0+s16+$0xFFFFFA80 ss:$0x1] =	vst.idx.msk $0xffff, v1;
	v1 =	vld [tilespmem:s11+$0x10680]  }
0x13a: {  	s6 =	rddreg [dreg:$0x1a];
	s4 =	smov.u32 s1;
	v3 =	vld [tilespmem:s28+$0x10680];
	[tilespmem:v0+s16+$0xFFFFF900 ss:$0x1] =	vst.idx.msk $0xffff, v5  }
0x13b: {  	v4 =	vld [tilespmem:s24+$0x10680];
	[smem:$0x7E8] =	sst s4;
	[tilespmem:v0+s3+$0xFFFFF0C0 ss:$0x1] =	vst.idx.msk $0xffff, v6  }
0x13c: {  	s4 =	rddreg [dreg:$0xe];
	v6 =	vld [tilespmem:s0+$0x4C0]  }
0x13d: {  	[tilespmem:s6+$0x12680] =	vst v2;
	v5 =	vld [tilespmem:s4+$0x10680]  }
0x13e: {  	v2 =	vld [tilespmem:s29+$0x10680];
	[tilespmem:v0+s16+$0xFFFFFD10 ss:$0x1] =	vst.idx.msk $0xffff, v1  }
0x13f: {  	s7 =	rddreg [dreg:$0x1b];
	v1 =	vld [tilespmem:s22+$0x10680];
	[tilespmem:v0+s16+$0xFFFFFE10 ss:$0x1] =	vst.idx.msk $0xffff, v3  }
0x140: {  	v3 =	vld [tilespmem:s11+$0x10690];
	[tilespmem:s7+$0x12680] =	vst v4  }
0x141: {  	v4 =	vld [tilespmem:s18+$0x10690];
	s1 =	rddreg [dreg:$0x1c];
	[tilespmem:v0+s3+$0xFFFFF0D0 ss:$0x1] =	vst.idx.msk $0xffff, v6  }
0x142: {  	[tilespmem:s1+$0x12680] =	vst v5;
	v6 =	vld [tilespmem:s0+$0x4D0]  }
0x143: {  	v5 =	vld [tilespmem:s28+$0x10690];
	[tilespmem:v0+s16+$0xFFFFFC90 ss:$0x1] =	vst.idx.msk $0xffff, v2  }
0x144: {  	v2 =	vld [tilespmem:s4+$0x10690];
	[tilespmem:v0+s16+$0xFFFFFF90 ss:$0x1] =	vst.idx.msk $0xffff, v1  }
0x145: {  	s10 =	rddreg [dreg:$0x16];
	v1 =	vld [tilespmem:s24+$0x10690];
	[tilespmem:v0+s16+$0xFFFFFD20 ss:$0x1] =	vst.idx.msk $0xffff, v3  }
0x146: {  	v3 =	vld [tilespmem:s22+$0x10690];
	[tilespmem:s10+$0x12680] =	vst v4  }
0x147: {  	v4 =	vld [tilespmem:s29+$0x10690];
	[tilespmem:v0+s3+$0xFFFFF0E0 ss:$0x1] =	vst.idx.msk $0xffff, v6  }
0x148: {  	s13 =	rddreg [dreg:$0x19];
	[tilespmem:v0+s16+$0xFFFFFE20 ss:$0x1] =	vst.idx.msk $0xffff, v5;
	v6 =	vld [tilespmem:s0+$0x4E0]  }
0x149: {  	s12 =	rddreg [dreg:$0x18];
	v5 =	vld [tilespmem:s11+$0x106A0];
	[tilespmem:s13+$0x12680] =	vst v2  }
0x14a: {  	v2 =	vld [tilespmem:s28+$0x106A0];
	[tilespmem:s12+$0x12680] =	vst v1  }
0x14b: {  	v1 =	vld [tilespmem:s18+$0x106A0];
	[tilespmem:v0+s16+$0xFFFFFFA0 ss:$0x1] =	vst.idx.msk $0xffff, v3  }
0x14c: {  	v3 =	vld [tilespmem:s24+$0x106A0];
	[tilespmem:v0+s16+$0xFFFFFCA0 ss:$0x1] =	vst.idx.msk $0xffff, v4  }
0x14d: {  	v4 =	vld [tilespmem:s4+$0x106A0];
	[tilespmem:v0+s3+$0xFFFFF0F0 ss:$0x1] =	vst.idx.msk $0xffff, v6  }
0x14e: {  	[tilespmem:v0+s16+$0xFFFFFD30 ss:$0x1] =	vst.idx.msk $0xffff, v5;
	v6 =	vld [tilespmem:s0+$0x4F0]  }
0x14f: {  	s14 =	rddreg [dreg:$0x14];
	v5 =	vld [tilespmem:s22+$0x106A0];
	[tilespmem:v0+s16+$0xFFFFFE30 ss:$0x1] =	vst.idx.msk $0xffff, v2  }
0x150: {  	s17 =	rddreg [dreg:$0x15];
	[tilespmem:s14+$0x12680] =	vst v1;
	v1 =	vld [tilespmem:s29+$0x106A0]  }
0x151: {  	s20 =	rddreg [dreg:$0x17];
	v2 =	vld [tilespmem:s11+$0x106B0];
	[tilespmem:s17+$0x12680] =	vst v3  }
0x152: {  	v3 =	vld [tilespmem:s18+$0x106B0];
	[tilespmem:s20+$0x12680] =	vst v4  }
0x153: {  	v4 =	vld [tilespmem:s28+$0x106B0];
	[tilespmem:v0+s3+$0xFFFFF100 ss:$0x1] =	vst.idx.msk $0xffff, v6  }
0x154: {  	[tilespmem:v0+s16+$0xFFFFFFB0 ss:$0x1] =	vst.idx.msk $0xffff, v5;
	v6 =	vld [tilespmem:s0+$0x880]  }
0x155: {  	[tilespmem:v0+s16+$0xFFFFFCB0 ss:$0x1] =	vst.idx.msk $0xffff, v1;
	v1 =	vld [tilespmem:s4+$0x106B0]  }
0x156: {  	s23 =	rddreg [dreg:$0x11];
	v5 =	vld [tilespmem:s24+$0x106B0];
	[tilespmem:v0+s16+$0xFFFFFD40 ss:$0x1] =	vst.idx.msk $0xffff, v2  }
0x157: {  	v2 =	vld [tilespmem:s22+$0x106B0];
	[tilespmem:s23+$0x12680] =	vst v3  }
0x158: {  	[tilespmem:v0+s16+$0xFFFFFE40 ss:$0x1] =	vst.idx.msk $0xffff, v4;
	v4 =	vld [tilespmem:s11+$0x106C0]  }
0x159: {  	s26 =	rddreg [dreg:$0x13];
	v3 =	vld [tilespmem:s29+$0x106B0];
	[tilespmem:v0+s3+$0xFFFFF490 ss:$0x1] =	vst.idx.msk $0xffff, v6  }
0x15a: {  	s25 =	rddreg [dreg:$0x12];
	[tilespmem:s26+$0x12680] =	vst v1;
	v1 =	vld [tilespmem:s28+$0x106C0]  }
0x15b: {  	[tilespmem:s25+$0x12680] =	vst v5;
	v6 =	vld [tilespmem:s0+$0x890]  }
0x15c: {  	v5 =	vld [tilespmem:s18+$0x106C0];
	[tilespmem:v0+s16+$0xFFFFFFC0 ss:$0x1] =	vst.idx.msk $0xffff, v2  }
0x15d: {  	v2 =	vld [tilespmem:s24+$0x106C0];
	[tilespmem:v0+s16+$0xFFFFFD50 ss:$0x1] =	vst.idx.msk $0xffff, v4  }
0x15e: {  	v4 =	vld [tilespmem:s22+$0x106C0];
	[tilespmem:v0+s16+$0xFFFFFCC0 ss:$0x1] =	vst.idx.msk $0xffff, v3  }
0x15f: {  	v3 =	vld [tilespmem:s4+$0x106C0];
	[tilespmem:v0+s16+$0xFFFFFE50 ss:$0x1] =	vst.idx.msk $0xffff, v1  }
0x160: {  	v1 =	vld [tilespmem:s8+$0x3];
	[tilespmem:v0+s3+$0xFFFFF4A0 ss:$0x1] =	vst.idx.msk $0xffff, v6  }
0x161: {  	[tilespmem:s21+$0x12680] =	vst v5;
	v5 =	vld [tilespmem:s29+$0x106C0]  }
0x162: {  	s2 =	rddreg [dreg:$0xf];
	v6 =	vld [tilespmem:s0+$0x8A0]  }
0x163: {  	s5 =	rddreg [dreg:$0x10];
	[tilespmem:s2+$0x12680] =	vst v2;
	v2 =	vld [tilespmem:s8+$0xFFFFFFFD]  }
0x164: {  	[tilespmem:s5+$0x12680] =	vst v3;
	v3 =	vld [tilespmem:s8+$0xFFFFFFFE]  }
0x165: {  	[tilespmem:v0+s16+$0xFFFFFFD0 ss:$0x1] =	vst.idx.msk $0xffff, v4;
	v4 =	vld [tilespmem:s8+$0xFFFFFFFF]  }
0x166: {  	[tilespmem:v0+s16+$0xFFFFFCD0 ss:$0x1] =	vst.idx.msk $0xffff, v5;
	v5 =	vld [tilespmem:s8+$0x0]  }
0x167: {  	(v2sf) =	vpush v1, $0x0;
	[tilespmem:v0+s3+$0xFFFFF4B0 ss:$0x1] =	vst.idx.msk $0xffff, v6;
	v6 =	vld [tilespmem:s8+$0x1]  }
0x168: {  	(v2sf) =	vpush v2, $0x0;
	v2 =	vld [tilespmem:s0+$0x8B0]  }
0x169: {  	v1 =	vld [tilespmem:s8+$0x2]  }
0x16a: {  	(v2sf) =	vpush v3, $0x0;
	v3 =	vld [tilespmem:s11+$0x106D0]  }
0x16b: {  	(v2sf) =	vpush v4, $0x0;
	v4 =	vld [tilespmem:s18+$0x106D0]  }
0x16c: {  	(v2sf) =	vpush v5, $0x0;
	v5 =	vld [tilespmem:s28+$0x106D0]  }
0x16d: {  	(v2sf) =	vpush v6, $0x0;
	[tilespmem:v0+s3+$0xFFFFF4C0 ss:$0x1] =	vst.idx.msk $0xffff, v2;
	v2 =	vld [tilespmem:s4+$0x106D0]  }
0x16e: {  	(v2sf) =	vpush v1, $0x0;
	v1 =	vld [tilespmem:s24+$0x106D0]  }
0x16f: {  	[tilespmem:v0+s16+$0xFFFFFD60 ss:$0x1] =	vst.idx.msk $0xffff, v3;
	v6 =	vld [tilespmem:s0+$0x8C0]  }
0x170: {  	v3 =	vld [tilespmem:s22+$0x106D0];
	[tilespmem:s19+$0x12680] =	vst v4  }
0x171: {  	v4 =	vld [tilespmem:s29+$0x106D0];
	[tilespmem:v0+s16+$0xFFFFFE60 ss:$0x1] =	vst.idx.msk $0xffff, v5  }
0x172: {  	s6 =	rddreg [dreg:$0xd];
	v5 =	vld [tilespmem:s11+$0x106E0];
	[tilespmem:s15+$0x12680] =	vst v2  }
0x173: {  	v2 =	vld [tilespmem:s28+$0x106E0];
	[tilespmem:s6+$0x12680] =	vst v1  }
0x174: {  	s13 =	rddreg [dreg:$0x6];
	v1 =	vld [tilespmem:s18+$0x106E0];
	[tilespmem:v0+s3+$0xFFFFF4D0 ss:$0x1] =	vst.idx.msk $0xffff, v6  }
0x175: {  	s12 =	rddreg [dreg:$0x9];
	[tilespmem:v0+s16+$0xFFFFFFE0 ss:$0x1] =	vst.idx.msk $0xffff, v3;
	v6 =	vld [tilespmem:s0+$0x8D0]  }
0x176: {  	s14 =	smov.u32 s28;
	s17 =	rddreg [dreg:$0xa];
	s7 =	spop (v2sf);
	[tilespmem:v0+s16+$0xFFFFFCE0 ss:$0x1] =	vst.idx.msk $0xffff, v4;
	v3 =	vld [tilespmem:s24+$0x106E0]  }
0x177: {  	s20 =	rddreg [dreg:$0xc];
	v4 =	vld [tilespmem:s4+$0x106E0];
	s10 =	sshll.u32 s7, $0x8;
	s2 =	sshll.u32 s7, $0x7;
	[tilespmem:v0+s16+$0xFFFFFD70 ss:$0x1] =	vst.idx.msk $0xffff, v5  }
0x178: {  	s25 =	smov.u32 s24;
	s1 =	sand.u32 $0xF800, s10;
	s2 =	sand.u32 $0x380, s2;
	v5 =	vld [tilespmem:s29+$0x106E0];
	[tilespmem:v0+s16+$0xFFFFFE70 ss:$0x1] =	vst.idx.msk $0xffff, v2  }
0x179: {  	s26 =	smov.u32 s22;
	s21 =	spop (v2sf);
	s15 =	sor.u32 s2, s1;
	[tilespmem:s12+$0x12680] =	vst v1;
	v1 =	vld [tilespmem:s22+$0x106E0]  }
0x17a: {  	s19 =	smov.u32 s4;
	[smem:$0x7EB] =	sst s7;
	s7 =	spop (v2sf);
	v2 =	vld [tilespmem:s15+$0x480];
	[tilespmem:v0+s3+$0xFFFFF4E0 ss:$0x1] =	vst.idx.msk $0xffff, v6  }
0x17b: {  	s4 =	sshll.u32 s21, $0x8;
	s10 =	sadd.s32 $0x1000, s20;
	s1 =	sshll.u32 s21, $0x7;
	[tilespmem:s9+$0x12680] =	vst v3;
	v3 =	vld [tilespmem:s11+$0x106F0]  }
0x17c: {  	s5 =	sshll.u32 s7, $0x8;
	s6 =	sshll.u32 s7, $0x7;
	[dreg:$0xc] =	wrdreg s10;
	[tilespmem:s17+$0x12680] =	vst v4;
	v6 =	vld [tilespmem:s0+$0x8E0]  }
0x17d: {  	s20 =	sadd.s32 s10, s13;
	s4 =	sand.u32 $0xF800, s4;
	s22 =	spop (v2sf);
	v4 =	vld [tilespmem:s18+$0x106F0];
	[tilespmem:v0+s16+$0xFFFFFCF0 ss:$0x1] =	vst.idx.msk $0xffff, v5  }
0x17e: {  	s1 =	sand.u32 $0x380, s1;
	s5 =	sand.u32 $0xF800, s5;
	s18 =	sand.u32 $0xF000, s20;
	[tilespmem:v0+s16+$0xFFFFFFF0 ss:$0x1] =	vst.idx.msk $0xffff, v1;
	v1 =	vld [tilespmem:s14+$0x106F0]  }
0x17f: {  	s9 =	sshll.u32 s22, $0x8;
	s2 =	sshll.u32 s22, $0x7;
	s23 =	spop (v2sf);
	[tilespmem:s18+$0x12A00] =	vst v2;
	v2 =	vld [tilespmem:s25+$0x106F0]  }
0x180: {  	s2 =	sand.u32 $0x380, s2;
	s24 =	spop (v2sf);
	s10 =	sshll.u32 s23, $0x8;
	v5 =	vld [tilespmem:s15+$0x490];
	[tilespmem:v0+s16+$0xFFFFFD80 ss:$0x1] =	vst.idx.msk $0xffff, v3  }
0x181: {  	s11 =	sshll.u32 s23, $0x7;
	s28 =	spop (v2sf);
	s25 =	rddreg [dreg:$0x7];
	v3 =	vld [tilespmem:s19+$0x106F0];
	[tilespmem:v0+s3+$0xFFFFF4F0 ss:$0x1] =	vst.idx.msk $0xffff, v6  }
0x182: {  	s13 =	sshll.u32 s24, $0x7;
	s14 =	sshll.u32 s28, $0x8;
	s17 =	sshll.u32 s28, $0x7;
	[tilespmem:s25+$0x12680] =	vst v4;
	v6 =	vld [tilespmem:s0+$0x8F0]  }
0x183: {  	s25 =	sand.u32 $0x380, s13;
	s13 =	sor.u32 s1, s4;
	s14 =	sand.u32 $0xF800, s14;
	v4 =	vld [tilespmem:s29+$0x106F0];
	[tilespmem:v0+s16+$0xFFFFFE80 ss:$0x1] =	vst.idx.msk $0xffff, v1  }
0x184: {  	s17 =	sand.u32 $0x380, s17;
	s0 =	sand.u32 $0x380, s6;
	s6 =	sand.u32 $0xF800, s9;
	v1 =	vld [tilespmem:s26+$0x106F0];
	[tilespmem:s30+$0x12680] =	vst v2  }
0x185: {  	s5 =	sor.u32 s0, s5;
	s0 =	sor.u32 s17, s14;
	s14 =	rddreg [dreg:$0x8];
	v2 =	vld [tilespmem:s13+$0x480];
	[tilespmem:s18+$0x12A10] =	vst v5  }
0x186: {  	s9 =	sand.u32 $0xF800, s10;
	s10 =	sand.u32 $0x380, s11;
	s11 =	sor.u32 s2, s6;
	[tilespmem:s14+$0x12680] =	vst v3;
	v5 =	vld [tilespmem:s15+$0x4A0]  }
0x187: {  	s12 =	sshll.u32 s24, $0x8;
	v3 =	vld [tilespmem:s11+$0x480];
	[tilespmem:v0+s3+$0xFFFFF500 ss:$0x1] =	vst.idx.msk $0xffff, v6  }
0x188: {  	s12 =	sand.u32 $0xF800, s12;
	s19 =	sor.u32 s10, s9;
	v6 =	vld [tilespmem:s5+$0x480];
	[tilespmem:v0+s16+$0xFFFFFD00 ss:$0x1] =	vst.idx.msk $0xffff, v4  }
0x189: {  	s9 =	sor.u32 s25, s12;
	[tilespmem:v0+s16+$0x0 ss:$0x1] =	vst.idx.msk $0xffff, v1;
	v1 =	vld [tilespmem:s19+$0x480]  }
0x18a: {  	[tilespmem:v0+s3+$0xFFFFF110 ss:$0x1] =	vst.idx.msk $0xffff, v2;
	v2 =	vld [tilespmem:s9+$0x480]  }
0x18b: {  	s29 =	sadd.s32 $0xFFFFF600, s20;
	v4 =	vld [tilespmem:s0+$0x480];
	[tilespmem:s18+$0x12A20] =	vst v5  }
0x18c: {  	s31 =	sand.u32 $0xF000, s29;
	s30 =	sadd.s32 $0xFFFFFA00, s20;
	[tilespmem:v0+s3+$0xFFFFF210 ss:$0x1] =	vst.idx.msk $0xffff, v3;
	v5 =	vld [tilespmem:s15+$0x4B0]  }
0x18d: {  	s26 =	sadd.s32 $0xFFFFFC00, s20;
	s1 =	sand.u32 $0xF000, s30;
	[tilespmem:s31+$0x12780] =	vst v6;
	v6 =	vld [tilespmem:s13+$0x490]  }
0x18e: {  	s12 =	sadd.s32 $0xFFFFFE00, s20;
	s6 =	sand.u32 $0xF000, s26;
	v3 =	vld [tilespmem:s5+$0x490];
	[tilespmem:s1+$0x12880] =	vst v1  }
0x18f: {  	s25 =	sand.u32 $0xF000, s12;
	v1 =	vld [tilespmem:s11+$0x490];
	[tilespmem:s6+$0x12900] =	vst v2  }
0x190: {  	v2 =	vld [tilespmem:s19+$0x490];
	[tilespmem:s25+$0x12980] =	vst v4  }
0x191: {  	v4 =	vld [tilespmem:s9+$0x490];
	[tilespmem:s18+$0x12A30] =	vst v5  }
0x192: {  	[tilespmem:v0+s3+$0xFFFFF120 ss:$0x1] =	vst.idx.msk $0xffff, v6;
	v5 =	vld [tilespmem:s15+$0x4C0]  }
0x193: {  	[tilespmem:s31+$0x12790] =	vst v3;
	v3 =	vld [tilespmem:s0+$0x490]  }
0x194: {  	v6 =	vld [tilespmem:s13+$0x4A0];
	[tilespmem:v0+s3+$0xFFFFF220 ss:$0x1] =	vst.idx.msk $0xffff, v1  }
0x195: {  	v1 =	vld [tilespmem:s5+$0x4A0];
	[tilespmem:s1+$0x12890] =	vst v2  }
0x196: {  	v2 =	vld [tilespmem:s11+$0x4A0];
	[tilespmem:s6+$0x12910] =	vst v4  }
0x197: {  	v4 =	vld [tilespmem:s19+$0x4A0];
	[tilespmem:s18+$0x12A40] =	vst v5  }
0x198: {  	[tilespmem:s25+$0x12990] =	vst v3;
	v5 =	vld [tilespmem:s9+$0x4A0]  }
0x199: {  	[tilespmem:v0+s3+$0xFFFFF130 ss:$0x1] =	vst.idx.msk $0xffff, v6;
	v3 =	vld [tilespmem:s15+$0x4D0]  }
0x19a: {  	[tilespmem:s31+$0x127A0] =	vst v1;
	v1 =	vld [tilespmem:s0+$0x4A0]  }
0x19b: {  	v6 =	vld [tilespmem:s13+$0x4B0];
	[tilespmem:v0+s3+$0xFFFFF230 ss:$0x1] =	vst.idx.msk $0xffff, v2  }
0x19c: {  	v2 =	vld [tilespmem:s5+$0x4B0];
	[tilespmem:s1+$0x128A0] =	vst v4  }
0x19d: {  	v4 =	vld [tilespmem:s11+$0x4B0];
	[tilespmem:s6+$0x12920] =	vst v5  }
0x19e: {  	v5 =	vld [tilespmem:s19+$0x4B0];
	[tilespmem:s18+$0x12A50] =	vst v3  }
0x19f: {  	[tilespmem:s25+$0x129A0] =	vst v1;
	v1 =	vld [tilespmem:s9+$0x4B0]  }
0x1a0: {  	[tilespmem:v0+s3+$0xFFFFF140 ss:$0x1] =	vst.idx.msk $0xffff, v6;
	v3 =	vld [tilespmem:s15+$0x4E0]  }
0x1a1: {  	[tilespmem:s31+$0x127B0] =	vst v2;
	v2 =	vld [tilespmem:s0+$0x4B0]  }
0x1a2: {  	v6 =	vld [tilespmem:s13+$0x4C0];
	[tilespmem:v0+s3+$0xFFFFF240 ss:$0x1] =	vst.idx.msk $0xffff, v4  }
0x1a3: {  	v4 =	vld [tilespmem:s5+$0x4C0];
	[tilespmem:s1+$0x128B0] =	vst v5  }
0x1a4: {  	v5 =	vld [tilespmem:s11+$0x4C0];
	[tilespmem:s6+$0x12930] =	vst v1  }
0x1a5: {  	v1 =	vld [tilespmem:s19+$0x4C0];
	[tilespmem:s18+$0x12A60] =	vst v3  }
0x1a6: {  	[tilespmem:s25+$0x129B0] =	vst v2;
	v2 =	vld [tilespmem:s9+$0x4C0]  }
0x1a7: {  	[tilespmem:v0+s3+$0xFFFFF150 ss:$0x1] =	vst.idx.msk $0xffff, v6;
	v3 =	vld [tilespmem:s15+$0x4F0]  }
0x1a8: {  	[tilespmem:s31+$0x127C0] =	vst v4;
	v4 =	vld [tilespmem:s0+$0x4C0]  }
0x1a9: {  	v6 =	vld [tilespmem:s13+$0x4D0];
	[tilespmem:v0+s3+$0xFFFFF250 ss:$0x1] =	vst.idx.msk $0xffff, v5  }
0x1aa: {  	v5 =	vld [tilespmem:s5+$0x4D0];
	[tilespmem:s1+$0x128C0] =	vst v1  }
0x1ab: {  	v1 =	vld [tilespmem:s11+$0x4D0];
	[tilespmem:s6+$0x12940] =	vst v2  }
0x1ac: {  	v2 =	vld [tilespmem:s19+$0x4D0];
	[tilespmem:s18+$0x12A70] =	vst v3  }
0x1ad: {  	[tilespmem:s25+$0x129C0] =	vst v4;
	v4 =	vld [tilespmem:s9+$0x4D0]  }
0x1ae: {  	[tilespmem:v0+s3+$0xFFFFF160 ss:$0x1] =	vst.idx.msk $0xffff, v6;
	v3 =	vld [tilespmem:s15+$0x880]  }
0x1af: {  	v6 =	vld [tilespmem:s0+$0x4D0];
	[tilespmem:s31+$0x127D0] =	vst v5  }
0x1b0: {  	v5 =	vld [tilespmem:s13+$0x4E0];
	[tilespmem:v0+s3+$0xFFFFF260 ss:$0x1] =	vst.idx.msk $0xffff, v1  }
0x1b1: {  	v1 =	vld [tilespmem:s5+$0x4E0];
	[tilespmem:s1+$0x128D0] =	vst v2  }
0x1b2: {  	v2 =	vld [tilespmem:s11+$0x4E0];
	[tilespmem:s6+$0x12950] =	vst v4  }
0x1b3: {  	v4 =	vld [tilespmem:s19+$0x4E0];
	[tilespmem:s18+$0x12E00] =	vst v3  }
0x1b4: {  	[tilespmem:s25+$0x129D0] =	vst v6;
	v6 =	vld [tilespmem:s9+$0x4E0]  }
0x1b5: {  	v3 =	vld [tilespmem:s15+$0x890];
	[tilespmem:v0+s3+$0xFFFFF170 ss:$0x1] =	vst.idx.msk $0xffff, v5  }
0x1b6: {  	[tilespmem:s31+$0x127E0] =	vst v1;
	v1 =	vld [tilespmem:s0+$0x4E0]  }
0x1b7: {  	s17 =	sshrl.u32 s21, $0x1;
	v5 =	vld [tilespmem:s13+$0x4F0];
	[tilespmem:v0+s3+$0xFFFFF270 ss:$0x1] =	vst.idx.msk $0xffff, v2  }
0x1b8: {  	s10 =	sshrl.u32 s22, $0x1;
	s12 =	sshrl.u32 s23, $0x1;
	s4 =	sand.u32 $0x7F80, s17;
	v2 =	vld [tilespmem:s5+$0x4F0];
	[tilespmem:s1+$0x128E0] =	vst v4  }
0x1b9: {  	s17 =	sshrl.u32 s28, $0x1;
	[smem:$0x7EA] =	sst s4;
	s4 =	sand.u32 $0x7F80, s10;
	[tilespmem:s6+$0x12960] =	vst v6  }
0x1ba: {  	s10 =	sand.u32 $0x7F80, s12;
	s12 =	sand.u32 $0x7F80, s17;
	s17 =	sor.u32 $0xA90, s26;
	v4 =	vld [tilespmem:s11+$0x4F0];
	[tilespmem:s18+$0x12E10] =	vst v3  }
0x1bb: {  	[smem:$0x7F3] =	sst s17;
	s17 =	sor.u32 $0xAA0, s26;
	v6 =	vld [tilespmem:s19+$0x4F0];
	[tilespmem:s25+$0x129E0] =	vst v1  }
0x1bc: {  	[smem:$0x7F4] =	sst s17;
	s17 =	sor.u32 $0xAB0, s26;
	v3 =	vld [tilespmem:s15+$0x8A0];
	[tilespmem:v0+s3+$0xFFFFF180 ss:$0x1] =	vst.idx.msk $0xffff, v5  }
0x1bd: {  	[smem:$0x7F1] =	sst s17;
	s17 =	sor.u32 $0xAC0, s26;
	[tilespmem:s31+$0x127F0] =	vst v2;
	v2 =	vld [tilespmem:s0+$0x4F0]  }
0x1be: {  	s16 =	sshrl.u32 s24, $0x1;
	[smem:$0x7EF] =	sst s17;
	s17 =	sor.u32 $0xAD0, s26;
	v5 =	vld [tilespmem:s13+$0x880]  }
0x1bf: {  	s2 =	sand.u32 $0x7F80, s16;
	s16 =	sor.u32 $0xA80, s26;
	[dreg:$0x1f] =	wrdreg s17;
	[tilespmem:v0+s3+$0xFFFFF280 ss:$0x1] =	vst.idx.msk $0xffff, v4;
	v4 =	vld [tilespmem:s5+$0x880]  }
0x1c0: {  	s17 =	sor.u32 $0xAE0, s26;
	[smem:$0x7F0] =	sst s16;
	[tilespmem:s1+$0x128F0] =	vst v6  }
0x1c1: {  	[dreg:$0x1e] =	wrdreg s17;
	s16 =	sshra.s32 s21, $0x9;
	s17 =	sshra.s32 s22, $0x9;
	[tilespmem:s18+$0x12E20] =	vst v3;
	v3 =	vld [tilespmem:s9+$0x4F0]  }
0x1c2: {  	s21 =	sshra.s32 s23, $0x9;
	s22 =	sshra.s32 s24, $0x9;
	s16 =	sand.u32 $0xFFFFFF80, s16;
	v1 =	vld [tilespmem:s15+$0x8B0];
	[tilespmem:s25+$0x129F0] =	vst v2  }
0x1c3: {  	s24 =	sand.u32 $0xFFFFFF80, s21;
	s21 =	sand.u32 $0xFFFFFF80, s22;
	[smem:$0x7EC] =	sst s16;
	v6 =	vld [tilespmem:s11+$0x880];
	[tilespmem:v0+s3+$0xFFFFF510 ss:$0x1] =	vst.idx.msk $0xffff, v5  }
0x1c4: {  	s22 =	sor.u32 $0xD00, s29;
	[dreg:$0xe] =	wrdreg s21;
	[tilespmem:v0+s3+$0xFFFFF590 ss:$0x1] =	vst.idx.msk $0xffff, v4;
	v4 =	vld [tilespmem:s0+$0x880]  }
0x1c5: {  	s16 =	sor.u32 $0xAF0, s26;
	[dreg:$0x1a] =	wrdreg s22;
	v5 =	vld [tilespmem:s13+$0x890]  }
0x1c6: {  	s23 =	sshra.s32 s28, $0x9;
	s21 =	sor.u32 $0xD10, s29;
	[dreg:$0x1d] =	wrdreg s16;
	[tilespmem:s6+$0x12970] =	vst v3;
	v3 =	vld [tilespmem:s19+$0x880]  }
0x1c7: {  	s22 =	sand.u32 $0xFFFFFF80, s23;
	s23 =	sor.u32 $0xE10, s30;
	[dreg:$0x16] =	wrdreg s21;
	[tilespmem:s18+$0x12E30] =	vst v1;
	v2 =	vld [tilespmem:s9+$0x880]  }
0x1c8: {  	s16 =	sor.u32 $0xE00, s30;
	[dreg:$0x18] =	wrdreg s23;
	[tilespmem:v0+s3+$0xFFFFF610 ss:$0x1] =	vst.idx.msk $0xffff, v6;
	v1 =	vld [tilespmem:s15+$0x8C0]  }
0x1c9: {  	s21 =	sor.u32 $0xD20, s29;
	[dreg:$0x1b] =	wrdreg s16;
	v6 =	vld [tilespmem:s5+$0x890];
	[tilespmem:s25+$0x12D80] =	vst v4  }
0x1ca: {  	s16 =	sor.u32 $0xE80, s26;
	[dreg:$0x14] =	wrdreg s21;
	[tilespmem:v0+s3+$0xFFFFF520 ss:$0x1] =	vst.idx.msk $0xffff, v5;
	v5 =	vld [tilespmem:s0+$0x890]  }
0x1cb: {  	s21 =	sor.u32 $0xD30, s29;
	[dreg:$0x1c] =	wrdreg s16;
	[tilespmem:s1+$0x12C80] =	vst v3;
	v3 =	vld [tilespmem:s11+$0x890]  }
0x1cc: {  	s16 =	sor.u32 $0xE90, s26;
	[dreg:$0x11] =	wrdreg s21;
	[tilespmem:s6+$0x12D00] =	vst v2;
	v2 =	vld [tilespmem:s19+$0x890]  }
0x1cd: {  	s21 =	sor.u32 $0xE40, s30;
	[dreg:$0x19] =	wrdreg s16;
	[tilespmem:s18+$0x12E40] =	vst v1;
	v4 =	vld [tilespmem:s9+$0x890]  }
0x1ce: {  	s16 =	sor.u32 $0xEA0, s26;
	[dreg:$0xf] =	wrdreg s21;
	[tilespmem:v0+s3+$0xFFFFF5A0 ss:$0x1] =	vst.idx.msk $0xffff, v6;
	v1 =	vld [tilespmem:s15+$0x8D0]  }
0x1cf: {  	s21 =	sor.u32 $0xD50, s29;
	[dreg:$0x17] =	wrdreg s16;
	v6 =	vld [tilespmem:s13+$0x8A0];
	[tilespmem:s25+$0x12D90] =	vst v5  }
0x1d0: {  	s16 =	sor.u32 $0xEB0, s26;
	[smem:$0x7ED] =	sst s21;
	[tilespmem:v0+s3+$0xFFFFF620 ss:$0x1] =	vst.idx.msk $0xffff, v3;
	v3 =	vld [tilespmem:s5+$0x8A0]  }
0x1d1: {  	s21 =	sor.u32 $0xEC0, s26;
	[dreg:$0x13] =	wrdreg s16;
	[tilespmem:s1+$0x12C90] =	vst v2;
	v2 =	vld [tilespmem:s11+$0x8A0]  }
0x1d2: {  	s16 =	sor.u32 $0xE50, s30;
	[dreg:$0x10] =	wrdreg s21;
	[tilespmem:s6+$0x12D10] =	vst v4;
	v4 =	vld [tilespmem:s19+$0x8A0]  }
0x1d3: {  	s21 =	sor.u32 $0xE60, s30;
	[dreg:$0xd] =	wrdreg s16;
	[tilespmem:s18+$0x12E50] =	vst v1;
	v5 =	vld [tilespmem:s9+$0x8A0]  }
0x1d4: {  	s16 =	sor.u32 $0xD60, s29;
	[smem:$0x7EE] =	sst s21;
	[tilespmem:v0+s3+$0xFFFFF530 ss:$0x1] =	vst.idx.msk $0xffff, v6;
	v1 =	vld [tilespmem:s15+$0x8E0]  }
0x1d5: {  	[dreg:$0x9] =	wrdreg s16;
	s16 =	sor.u32 $0xD70, s29;
	v6 =	vld [tilespmem:s0+$0x8A0];
	[tilespmem:v0+s3+$0xFFFFF5B0 ss:$0x1] =	vst.idx.msk $0xffff, v3  }
0x1d6: {  	[dreg:$0x7] =	wrdreg s16;
	s16 =	sor.u32 $0xEE0, s26;
	v3 =	vld [tilespmem:s13+$0x8B0];
	[tilespmem:v0+s3+$0xFFFFF630 ss:$0x1] =	vst.idx.msk $0xffff, v2  }
0x1d7: {  	s23 =	sor.u32 $0xE20, s30;
	[dreg:$0xa] =	wrdreg s16;
	v2 =	vld [tilespmem:s5+$0x8B0];
	[tilespmem:s1+$0x12CA0] =	vst v4  }
0x1d8: {  	s21 =	sor.u32 $0xED0, s26;
	s16 =	sor.u32 $0xEF0, s26;
	s26 =	sld [smem:$0x7E9];
	v4 =	vld [tilespmem:s11+$0x8B0];
	[tilespmem:s6+$0x12D20] =	vst v5  }
0x1d9: {  	[dreg:$0x15] =	wrdreg s23;
	s23 =	sor.u32 $0xE30, s30;
	v5 =	vld [tilespmem:s19+$0x8B0];
	[tilespmem:s18+$0x12E60] =	vst v1  }
0x1da: {  	[dreg:$0x12] =	wrdreg s23;
	[tilespmem:s25+$0x12DA0] =	vst v6;
	v1 =	vld [tilespmem:s15+$0x8F0]  }
0x1db: {  	s23 =	sor.u32 $0xD40, s29;
	s29 =	smov.u32 s26;
	s26 =	sld [smem:$0x7EB];
	v6 =	vld [tilespmem:s9+$0x8B0];
	[tilespmem:v0+s3+$0xFFFFF540 ss:$0x1] =	vst.idx.msk $0xffff, v3  }
0x1dc: {  	s14 =	sshrl.u32 s7, $0x1;
	s7 =	sshra.s32 s7, $0x9;
	[tilespmem:v0+s3+$0xFFFFF5C0 ss:$0x1] =	vst.idx.msk $0xffff, v2;
	v2 =	vld [tilespmem:s0+$0x8B0]  }
0x1dd: {  	s7 =	sand.u32 $0xFFFFFF80, s7;
	v3 =	vld [tilespmem:s13+$0x8C0];
	[tilespmem:v0+s3+$0xFFFFF640 ss:$0x1] =	vst.idx.msk $0xffff, v4  }
0x1de: {  	[smem:$0x7F2] =	sst s7;
	s7 =	sshrl.u32 s26, $0x1;
	v4 =	vld [tilespmem:s5+$0x8C0];
	[tilespmem:s1+$0x12CB0] =	vst v5  }
0x1df: {  	s7 =	sand.u32 $0x7F80, s7;
	v5 =	vld [tilespmem:s11+$0x8C0];
	[tilespmem:s18+$0x12E70] =	vst v1  }
0x1e0: {  	[tilespmem:s6+$0x12D30] =	vst v6;
	v1 =	vld [tilespmem:s7+$0x10480]  }
0x1e1: {  	v6 =	vld [tilespmem:s19+$0x8C0];
	[tilespmem:s25+$0x12DB0] =	vst v2  }
0x1e2: {  	[tilespmem:v0+s3+$0xFFFFF550 ss:$0x1] =	vst.idx.msk $0xffff, v3;
	v2 =	vld [tilespmem:s9+$0x8C0]  }
0x1e3: {  	[tilespmem:v0+s3+$0xFFFFF5D0 ss:$0x1] =	vst.idx.msk $0xffff, v4;
	v3 =	vld [tilespmem:s0+$0x8C0]  }
0x1e4: {  	v4 =	vld [tilespmem:s13+$0x8D0];
	[tilespmem:v0+s3+$0xFFFFF650 ss:$0x1] =	vst.idx.msk $0xffff, v5  }
0x1e5: {  	v5 =	vld [tilespmem:s5+$0x8D0];
	[tilespmem:s18+$0x13200] =	vst v1  }
0x1e6: {  	[tilespmem:s1+$0x12CC0] =	vst v6;
	v1 =	vld [tilespmem:s7+$0x10490]  }
0x1e7: {  	v6 =	vld [tilespmem:s11+$0x8D0];
	[tilespmem:s6+$0x12D40] =	vst v2  }
0x1e8: {  	v2 =	vld [tilespmem:s19+$0x8D0];
	[tilespmem:s25+$0x12DC0] =	vst v3  }
0x1e9: {  	[tilespmem:v0+s3+$0xFFFFF560 ss:$0x1] =	vst.idx.msk $0xffff, v4;
	v3 =	vld [tilespmem:s9+$0x8D0]  }
0x1ea: {  	[tilespmem:v0+s3+$0xFFFFF5E0 ss:$0x1] =	vst.idx.msk $0xffff, v5;
	v4 =	vld [tilespmem:s0+$0x8D0]  }
0x1eb: {  	v5 =	vld [tilespmem:s13+$0x8E0];
	[tilespmem:s18+$0x13210] =	vst v1  }
0x1ec: {  	[tilespmem:v0+s3+$0xFFFFF660 ss:$0x1] =	vst.idx.msk $0xffff, v6;
	v1 =	vld [tilespmem:s7+$0x104A0]  }
0x1ed: {  	v6 =	vld [tilespmem:s5+$0x8E0];
	[tilespmem:s1+$0x12CD0] =	vst v2  }
0x1ee: {  	v2 =	vld [tilespmem:s11+$0x8E0];
	[tilespmem:s6+$0x12D50] =	vst v3  }
0x1ef: {  	v3 =	vld [tilespmem:s19+$0x8E0];
	[tilespmem:s25+$0x12DD0] =	vst v4  }
0x1f0: {  	[tilespmem:v0+s3+$0xFFFFF570 ss:$0x1] =	vst.idx.msk $0xffff, v5;
	v4 =	vld [tilespmem:s9+$0x8E0]  }
0x1f1: {  	v5 =	vld [tilespmem:s0+$0x8E0];
	[tilespmem:s18+$0x13220] =	vst v1  }
0x1f2: {  	[tilespmem:v0+s3+$0xFFFFF5F0 ss:$0x1] =	vst.idx.msk $0xffff, v6;
	v1 =	vld [tilespmem:s7+$0x104B0]  }
0x1f3: {  	v6 =	vld [tilespmem:s13+$0x8F0];
	[tilespmem:v0+s3+$0xFFFFF670 ss:$0x1] =	vst.idx.msk $0xffff, v2  }
0x1f4: {  	v2 =	vld [tilespmem:s5+$0x8F0];
	[tilespmem:s1+$0x12CE0] =	vst v3  }
0x1f5: {  	v3 =	vld [tilespmem:s11+$0x8F0];
	[tilespmem:s6+$0x12D60] =	vst v4  }
0x1f6: {  	v4 =	vld [tilespmem:s19+$0x8F0];
	[tilespmem:s25+$0x12DE0] =	vst v5  }
0x1f7: {  	s15 =	smov.u32 s21;
	s21 =	smov.u32 s23;
	s23 =	sld [smem:$0x7EA];
	v5 =	vld [tilespmem:s9+$0x8F0];
	[tilespmem:s18+$0x13230] =	vst v1  }
0x1f8: {  	[tilespmem:v0+s3+$0xFFFFF580 ss:$0x1] =	vst.idx.msk $0xffff, v6;
	v1 =	vld [tilespmem:s7+$0x104C0]  }
0x1f9: {  	v6 =	vld [tilespmem:s0+$0x8F0];
	[tilespmem:v0+s3+$0xFFFFF600 ss:$0x1] =	vst.idx.msk $0xffff, v2  }
0x1fa: {  	s14 =	sand.u32 $0x7F80, s14;
	v2 =	vld [tilespmem:s23+$0x10480];
	[tilespmem:v0+s3+$0xFFFFF680 ss:$0x1] =	vst.idx.msk $0xffff, v3  }
0x1fb: {  	v3 =	vld [tilespmem:s14+$0x10480];
	[tilespmem:s1+$0x12CF0] =	vst v4  }
0x1fc: {  	v4 =	vld [tilespmem:s4+$0x10480];
	[tilespmem:s6+$0x12D70] =	vst v5  }
0x1fd: {  	v5 =	vld [tilespmem:s10+$0x10480];
	[tilespmem:s18+$0x13240] =	vst v1  }
0x1fe: {  	s28 =	sand.u32 $0xFFFFFF80, s17;
	s17 =	sld [smem:$0x7E8];
	[tilespmem:s25+$0x12DF0] =	vst v6;
	v1 =	vld [tilespmem:s7+$0x104D0]  }
0x1ff: {  	v6 =	vld [tilespmem:s2+$0x10480];
	[tilespmem:v0+s3+$0xFFFFF910 ss:$0x1] =	vst.idx.msk $0xffff, v2  }
0x200: {  	v2 =	vld [tilespmem:s12+$0x10480];
	[tilespmem:s31+$0x12F80] =	vst v3  }
0x201: {  	s5 =	sld [smem:$0x7F0];
	v3 =	vld [tilespmem:s17+$0x10480];
	[tilespmem:v0+s3+$0xFFFFFA10 ss:$0x1] =	vst.idx.msk $0xffff, v4  }
0x202: {  	v4 =	vld [tilespmem:s23+$0x10490];
	[tilespmem:v0+s3+$0xFFFFFA90 ss:$0x1] =	vst.idx.msk $0xffff, v5  }
0x203: {  	v5 =	vld [tilespmem:s14+$0x10490];
	[tilespmem:s18+$0x13250] =	vst v1  }
0x204: {  	[tilespmem:s5+$0x12680] =	vst v6;
	v1 =	vld [tilespmem:s7+$0x104E0]  }
0x205: {  	v6 =	vld [tilespmem:s4+$0x10490];
	[tilespmem:s25+$0x13180] =	vst v2  }
0x206: {  	v2 =	vld [tilespmem:s10+$0x10490];
	[tilespmem:v0+s3+$0xFFFFF890 ss:$0x1] =	vst.idx.msk $0xffff, v3  }
0x207: {  	v3 =	vld [tilespmem:s2+$0x10490];
	[tilespmem:v0+s3+$0xFFFFF920 ss:$0x1] =	vst.idx.msk $0xffff, v4  }
0x208: {  	v4 =	vld [tilespmem:s12+$0x10490];
	[tilespmem:s31+$0x12F90] =	vst v5  }
0x209: {  	s13 =	sshra.s32 s26, $0x9;
	s26 =	sld [smem:$0x7F3];
	v5 =	vld [tilespmem:s17+$0x10490];
	[tilespmem:s18+$0x13260] =	vst v1  }
0x20a: {  	[tilespmem:v0+s3+$0xFFFFFA20 ss:$0x1] =	vst.idx.msk $0xffff, v6;
	v1 =	vld [tilespmem:s7+$0x104F0]  }
0x20b: {  	v6 =	vld [tilespmem:s23+$0x104A0];
	[tilespmem:v0+s3+$0xFFFFFAA0 ss:$0x1] =	vst.idx.msk $0xffff, v2  }
0x20c: {  	v2 =	vld [tilespmem:s14+$0x104A0];
	[tilespmem:s26+$0x12680] =	vst v3  }
0x20d: {  	v3 =	vld [tilespmem:s4+$0x104A0];
	[tilespmem:s25+$0x13190] =	vst v4  }
0x20e: {  	[dreg:$0x8] =	wrdreg s16;
	[tilespmem:v0+s3+$0xFFFFF8A0 ss:$0x1] =	vst.idx.msk $0xffff, v5;
	v5 =	vld [tilespmem:s10+$0x104A0]  }
0x20f: {  	s13 =	sand.u32 $0xFFFFFF80, s13;
	s11 =	sld [smem:$0x7EC];
	v7 =	vld [tilespmem:s12+$0x104A0];
	[tilespmem:s18+$0x13270] =	vst v1  }
0x210: {  	s19 =	sld [smem:$0x7ED];
	[tilespmem:v0+s3+$0xFFFFF930 ss:$0x1] =	vst.idx.msk $0xffff, v6;
	v1 =	vld [tilespmem:s13+$0x10680]  }
0x211: {  	s9 =	sld [smem:$0x7EE];
	v6 =	vld [tilespmem:s2+$0x104A0];
	[tilespmem:s31+$0x12FA0] =	vst v2  }
.Ltmp0:
0x212: {  	s1 =	rddreg [dreg:$0xb];
	v2 =	vld [tilespmem:s23+$0x104B0];
	[tilespmem:v0+s3+$0xFFFFFA30 ss:$0x1] =	vst.idx.msk $0xffff, v3;
	(pc) =	sbr.rel @p0 .LBB2_3-.Ltmp0, $4  }
0x213: {  	s26 =	sld [smem:$0x7F4];
	v3 =	vld [tilespmem:s4+$0x104B0];
	[tilespmem:v0+s3+$0xFFFFFAB0 ss:$0x1] =	vst.idx.msk $0xffff, v5  }
0x214: {  	s6 =	sld [smem:$0x7EF];
	s5 =	sor.u32 $0xF80, s20;
	v5 =	vld [tilespmem:s14+$0x104B0];
	[tilespmem:s25+$0x131A0] =	vst v7  }
0x215: {  	s8 =	sadd.s32 $0x8, s8;
	s30 =	sor.u32 $0xE70, s30;
	s7 =	sld [smem:$0x7F1];
	[tilespmem:s5+$0x12680] =	vst v1;
	v1 =	vld [tilespmem:s17+$0x104A0]  }
0x216: {  	s16 =	smov.u32 s3;
	s0 =	sor.u32 $0xF90, s20;
	[tilespmem:s26+$0x12680] =	vst v6;
	s18 =	sld [smem:$0x7F2];
	v4 =	vld [tilespmem:s13+$0x10690]  }
0x217: {  	_ =	sdelay $0x3  }
0x218: {  	[tilespmem:s0+$0x12680] =	vst v4  }
0x219: {  	v4 =	vld [tilespmem:s13+$0x106A0];
	_ =	sdelay $0x3  }
0x21a: {  	s26 =	sor.u32 $0xFA0, s20  }
0x21b: {  	[tilespmem:s26+$0x12680] =	vst v4  }
0x21c: {  	v4 =	vld [tilespmem:s13+$0x106B0];
	_ =	sdelay $0x3  }
0x21d: {  	s1 =	sor.u32 $0xFB0, s20  }
0x21e: {  	v6 =	vld [tilespmem:s2+$0x104B0];
	[tilespmem:s1+$0x12680] =	vst v4  }
0x21f: {  	v4 =	vld [tilespmem:s13+$0x106C0]  }
0x220: {  	[tilespmem:s31+$0x12FB0] =	vst v5  }
0x221: {  	v56 =	vld [tilespmem:s14+$0x104C0]  }
0x222: {  	v7 =	vld [tilespmem:s10+$0x104B0]  }
0x223: {  	s5 =	sor.u32 $0xFC0, s20;
	[tilespmem:s7+$0x12680] =	vst v6  }
0x224: {  	v6 =	vld [tilespmem:s2+$0x104C0];
	[tilespmem:s5+$0x12680] =	vst v4  }
0x225: {  	v57 =	vld [tilespmem:s13+$0x106D0]  }
0x226: {  	[tilespmem:s31+$0x12FC0] =	vst v56  }
0x227: {  	[tilespmem:v0+s3+$0xFFFFFAC0 ss:$0x1] =	vst.idx.msk $0xffff, v7;
	v4 =	vld [tilespmem:s14+$0x104D0]  }
0x228: {  	v7 =	vld [tilespmem:s10+$0x104C0]  }
0x229: {  	v58 =	vld [tilespmem:s12+$0x104B0];
	s7 =	sor.u32 $0xFD0, s20;
	[tilespmem:s6+$0x12680] =	vst v6  }
0x22a: {  	v6 =	vld [tilespmem:s2+$0x104D0];
	[tilespmem:s7+$0x12680] =	vst v57  }
0x22b: {  	v5 =	vld [tilespmem:s13+$0x106E0]  }
0x22c: {  	s0 =	rddreg [dreg:$0x1f];
	[tilespmem:s31+$0x12FD0] =	vst v4  }
0x22d: {  	[tilespmem:v0+s3+$0xFFFFFAD0 ss:$0x1] =	vst.idx.msk $0xffff, v7;
	v4 =	vld [tilespmem:s14+$0x104E0]  }
0x22e: {  	[tilespmem:s25+$0x131B0] =	vst v58  }
0x22f: {  	s8 =	sor.u32 $0xFE0, s20;
	[tilespmem:s0+$0x12680] =	vst v6;
	v59 =	vld [tilespmem:s10+$0x104D0]  }
0x230: {  	v6 =	vld [tilespmem:s12+$0x104C0];
	[tilespmem:s8+$0x12680] =	vst v5  }
0x231: {  	s0 =	rddreg [dreg:$0x1e];
	[tilespmem:v0+s3+$0xFFFFF8B0 ss:$0x1] =	vst.idx.msk $0xffff, v1  }
0x232: {  	v8 =	vld [tilespmem:s2+$0x104E0];
	[tilespmem:s31+$0x12FE0] =	vst v4  }
0x233: {  	[tilespmem:v0+s3+$0xFFFFF940 ss:$0x1] =	vst.idx.msk $0xffff, v2;
	v1 =	vld [tilespmem:s17+$0x104B0]  }
0x234: {  	[tilespmem:v0+s3+$0xFFFFFAE0 ss:$0x1] =	vst.idx.msk $0xffff, v59;
	v2 =	vld [tilespmem:s23+$0x104C0]  }
0x235: {  	[tilespmem:s25+$0x131C0] =	vst v6;
	v5 =	vld [tilespmem:s10+$0x104E0]  }
0x236: {  	[tilespmem:v0+s3+$0xFFFFFA40 ss:$0x1] =	vst.idx.msk $0xffff, v3;
	v60 =	vld [tilespmem:s12+$0x104D0]  }
0x237: {  	[tilespmem:s0+$0x12680] =	vst v8;
	v61 =	vld [tilespmem:s4+$0x104C0]  }
0x238: {  	v4 =	vld [tilespmem:s14+$0x104F0];
	[tilespmem:v0+s3+$0xFFFFF8C0 ss:$0x1] =	vst.idx.msk $0xffff, v1  }
0x239: {  	[tilespmem:v0+s3+$0xFFFFF950 ss:$0x1] =	vst.idx.msk $0xffff, v2;
	v1 =	vld [tilespmem:s17+$0x104C0]  }
0x23a: {  	[tilespmem:v0+s16+$0xFFFFFAF0 ss:$0x1] =	vst.idx.msk $0xffff, v5;
	v2 =	vld [tilespmem:s23+$0x104D0]  }
0x23b: {  	[tilespmem:s25+$0x131D0] =	vst v60;
	v5 =	vld [tilespmem:s10+$0x104F0]  }
0x23c: {  	[tilespmem:v0+s3+$0xFFFFFA50 ss:$0x1] =	vst.idx.msk $0xffff, v61;
	v3 =	vld [tilespmem:s12+$0x104E0]  }
0x23d: {  	[tilespmem:s31+$0x12FF0] =	vst v4;
	v6 =	vld [tilespmem:s4+$0x104D0]  }
0x23e: {  	v62 =	vld [tilespmem:s2+$0x104F0];
	[tilespmem:v0+s3+$0xFFFFF8D0 ss:$0x1] =	vst.idx.msk $0xffff, v1  }
0x23f: {  	s0 =	rddreg [dreg:$0x1d];
	v1 =	vld [tilespmem:s17+$0x104D0];
	[tilespmem:v0+s3+$0xFFFFF960 ss:$0x1] =	vst.idx.msk $0xffff, v2  }
0x240: {  	v63 =	vld [tilespmem:s13+$0x106F0];
	[tilespmem:v0+s16+$0xFFFFFB00 ss:$0x1] =	vst.idx.msk $0xffff, v5  }
0x241: {  	[tilespmem:s25+$0x131E0] =	vst v3  }
0x242: {  	v8 =	vld [tilespmem:s18+$0x10680];
	[tilespmem:v0+s3+$0xFFFFFA60 ss:$0x1] =	vst.idx.msk $0xffff, v6  }
0x243: {  	[tilespmem:s0+$0x12680] =	vst v62;
	v10 =	vld [tilespmem:s12+$0x104F0]  }
0x244: {  	s20 =	sor.u32 $0xFF0, s20;
	v9 =	vld [tilespmem:s24+$0x10680];
	[tilespmem:v0+s3+$0xFFFFF8E0 ss:$0x1] =	vst.idx.msk $0xffff, v1  }
0x245: {  	v12 =	vld [tilespmem:s23+$0x104E0];
	s1 =	rddreg [dreg:$0xe];
	[tilespmem:s20+$0x12680] =	vst v63  }
0x246: {  	v13 =	vld [tilespmem:s4+$0x104E0];
	s0 =	rddreg [dreg:$0x1a]  }
0x247: {  	v11 =	vld [tilespmem:s1+$0x10680];
	[tilespmem:s0+$0x12680] =	vst v8  }
0x248: {  	s0 =	rddreg [dreg:$0x1b];
	[tilespmem:s25+$0x131F0] =	vst v10  }
0x249: {  	v14 =	vld [tilespmem:s18+$0x10690];
	[tilespmem:s0+$0x12680] =	vst v9  }
0x24a: {  	v16 =	vld [tilespmem:s17+$0x104E0];
	s0 =	rddreg [dreg:$0x1c];
	[tilespmem:v0+s16+$0xFFFFF970 ss:$0x1] =	vst.idx.msk $0xffff, v12  }
0x24b: {  	v15 =	vld [tilespmem:s24+$0x10690];
	[tilespmem:v0+s16+$0xFFFFFA70 ss:$0x1] =	vst.idx.msk $0xffff, v13  }
0x24c: {  	[tilespmem:s0+$0x12680] =	vst v11;
	v18 =	vld [tilespmem:s23+$0x104F0]  }
0x24d: {  	v2 =	vld [tilespmem:s4+$0x104F0];
	s0 =	rddreg [dreg:$0x16]  }
0x24e: {  	v17 =	vld [tilespmem:s1+$0x10690];
	[tilespmem:s0+$0x12680] =	vst v14  }
0x24f: {  	s0 =	rddreg [dreg:$0x18];
	[tilespmem:v0+s16+$0xFFFFF8F0 ss:$0x1] =	vst.idx.msk $0xffff, v16  }
0x250: {  	v3 =	vld [tilespmem:s18+$0x106A0];
	[tilespmem:s0+$0x12680] =	vst v15  }
0x251: {  	v20 =	vld [tilespmem:s17+$0x104F0];
	s0 =	rddreg [dreg:$0x19];
	[tilespmem:v0+s16+$0xFFFFF980 ss:$0x1] =	vst.idx.msk $0xffff, v18  }
0x252: {  	v19 =	vld [tilespmem:s24+$0x106A0];
	[tilespmem:v0+s16+$0xFFFFFA80 ss:$0x1] =	vst.idx.msk $0xffff, v2  }
0x253: {  	[tilespmem:s0+$0x12680] =	vst v17;
	v21 =	vld [tilespmem:s11+$0x10680]  }
0x254: {  	v22 =	vld [tilespmem:s28+$0x10680];
	s0 =	rddreg [dreg:$0x14]  }
0x255: {  	v4 =	vld [tilespmem:s1+$0x106A0];
	[tilespmem:s0+$0x12680] =	vst v3  }
0x256: {  	v24 =	vld [tilespmem:s22+$0x10680];
	s0 =	rddreg [dreg:$0x15];
	[tilespmem:v0+s16+$0xFFFFF900 ss:$0x1] =	vst.idx.msk $0xffff, v20  }
0x257: {  	v23 =	vld [tilespmem:s18+$0x106B0];
	[tilespmem:s0+$0x12680] =	vst v19  }
0x258: {  	v25 =	vld [tilespmem:s29+$0x10680];
	s0 =	rddreg [dreg:$0x17];
	[tilespmem:v0+s16+$0xFFFFFD10 ss:$0x1] =	vst.idx.msk $0xffff, v21  }
0x259: {  	[tilespmem:v0+s16+$0xFFFFFE10 ss:$0x1] =	vst.idx.msk $0xffff, v22  }
0x25a: {  	v26 =	vld [tilespmem:s24+$0x106B0];
	[tilespmem:s0+$0x12680] =	vst v4  }
0x25b: {  	v27 =	vld [tilespmem:s11+$0x10690];
	s0 =	rddreg [dreg:$0x11];
	[tilespmem:v0+s16+$0xFFFFFF90 ss:$0x1] =	vst.idx.msk $0xffff, v24  }
0x25c: {  	v28 =	vld [tilespmem:s28+$0x10690];
	[tilespmem:s0+$0x12680] =	vst v23  }
0x25d: {  	[tilespmem:v0+s16+$0xFFFFFC90 ss:$0x1] =	vst.idx.msk $0xffff, v25  }
0x25e: {  	v29 =	vld [tilespmem:s1+$0x106B0];
	s0 =	rddreg [dreg:$0x12]  }
0x25f: {  	v30 =	vld [tilespmem:s22+$0x10690];
	[tilespmem:s0+$0x12680] =	vst v26  }
0x260: {  	v32 =	vld [tilespmem:s18+$0x106C0];
	[tilespmem:v0+s16+$0xFFFFFD20 ss:$0x1] =	vst.idx.msk $0xffff, v27  }
0x261: {  	v31 =	vld [tilespmem:s29+$0x10690];
	[tilespmem:v0+s16+$0xFFFFFE20 ss:$0x1] =	vst.idx.msk $0xffff, v28  }
0x262: {  	v33 =	vld [tilespmem:s11+$0x106A0];
	s0 =	rddreg [dreg:$0x13]  }
0x263: {  	v34 =	vld [tilespmem:s28+$0x106A0];
	[tilespmem:s0+$0x12680] =	vst v29  }
0x264: {  	[tilespmem:v0+s16+$0xFFFFFFA0 ss:$0x1] =	vst.idx.msk $0xffff, v30  }
0x265: {  	v35 =	vld [tilespmem:s24+$0x106C0];
	[tilespmem:s21+$0x12680] =	vst v32  }
0x266: {  	v36 =	vld [tilespmem:s22+$0x106A0];
	[tilespmem:v0+s16+$0xFFFFFCA0 ss:$0x1] =	vst.idx.msk $0xffff, v31  }
0x267: {  	v37 =	vld [tilespmem:s29+$0x106A0];
	[tilespmem:v0+s16+$0xFFFFFD30 ss:$0x1] =	vst.idx.msk $0xffff, v33  }
0x268: {  	v41 =	vld [tilespmem:s18+$0x106D0];
	[tilespmem:v0+s16+$0xFFFFFE30 ss:$0x1] =	vst.idx.msk $0xffff, v34  }
0x269: {  	v38 =	vld [tilespmem:s1+$0x106C0];
	s0 =	rddreg [dreg:$0xf]  }
0x26a: {  	v39 =	vld [tilespmem:s11+$0x106B0];
	[tilespmem:s0+$0x12680] =	vst v35  }
0x26b: {  	v40 =	vld [tilespmem:s28+$0x106B0];
	[tilespmem:v0+s16+$0xFFFFFFB0 ss:$0x1] =	vst.idx.msk $0xffff, v36  }
0x26c: {  	v42 =	vld [tilespmem:s22+$0x106B0];
	[tilespmem:v0+s16+$0xFFFFFCB0 ss:$0x1] =	vst.idx.msk $0xffff, v37  }
0x26d: {  	s0 =	rddreg [dreg:$0x10];
	v43 =	vld [tilespmem:s29+$0x106B0];
	[tilespmem:s19+$0x12680] =	vst v41  }
0x26e: {  	[tilespmem:s0+$0x12680] =	vst v38  }
0x26f: {  	v44 =	vld [tilespmem:s24+$0x106D0];
	[tilespmem:v0+s16+$0xFFFFFD40 ss:$0x1] =	vst.idx.msk $0xffff, v39  }
0x270: {  	[tilespmem:v0+s16+$0xFFFFFE40 ss:$0x1] =	vst.idx.msk $0xffff, v40;
	v45 =	vld [tilespmem:s11+$0x106C0]  }
0x271: {  	v46 =	vld [tilespmem:s28+$0x106C0];
	[tilespmem:v0+s16+$0xFFFFFFC0 ss:$0x1] =	vst.idx.msk $0xffff, v42  }
0x272: {  	v47 =	vld [tilespmem:s1+$0x106D0];
	[tilespmem:v0+s16+$0xFFFFFCC0 ss:$0x1] =	vst.idx.msk $0xffff, v43  }
0x273: {  	v48 =	vld [tilespmem:s22+$0x106C0];
	s0 =	rddreg [dreg:$0xd]  }
0x274: {  	v49 =	vld [tilespmem:s29+$0x106C0];
	[tilespmem:s0+$0x12680] =	vst v44  }
0x275: {  	[tilespmem:v0+s16+$0xFFFFFD50 ss:$0x1] =	vst.idx.msk $0xffff, v45  }
0x276: {  	v50 =	vld [tilespmem:s18+$0x106E0];
	[tilespmem:v0+s16+$0xFFFFFE50 ss:$0x1] =	vst.idx.msk $0xffff, v46  }
0x277: {  	[tilespmem:s15+$0x12680] =	vst v47;
	v51 =	vld [tilespmem:s11+$0x106D0]  }
0x278: {  	v52 =	vld [tilespmem:s28+$0x106D0];
	[tilespmem:v0+s16+$0xFFFFFFD0 ss:$0x1] =	vst.idx.msk $0xffff, v48  }
0x279: {  	v53 =	vld [tilespmem:s24+$0x106E0];
	[tilespmem:v0+s16+$0xFFFFFCD0 ss:$0x1] =	vst.idx.msk $0xffff, v49  }
0x27a: {  	v54 =	vld [tilespmem:s22+$0x106D0];
	s0 =	rddreg [dreg:$0x9]  }
0x27b: {  	v55 =	vld [tilespmem:s29+$0x106D0];
	[tilespmem:s0+$0x12680] =	vst v50  }
0x27c: {  	[tilespmem:v0+s16+$0xFFFFFD60 ss:$0x1] =	vst.idx.msk $0xffff, v51  }
0x27d: {  	v56 =	vld [tilespmem:s1+$0x106E0];
	[tilespmem:v0+s16+$0xFFFFFE60 ss:$0x1] =	vst.idx.msk $0xffff, v52  }
0x27e: {  	[tilespmem:s9+$0x12680] =	vst v53;
	v57 =	vld [tilespmem:s11+$0x106E0]  }
0x27f: {  	v58 =	vld [tilespmem:s28+$0x106E0];
	[tilespmem:v0+s16+$0xFFFFFFE0 ss:$0x1] =	vst.idx.msk $0xffff, v54  }
0x280: {  	v62 =	vld [tilespmem:s24+$0x106F0];
	[tilespmem:v0+s16+$0xFFFFFCE0 ss:$0x1] =	vst.idx.msk $0xffff, v55  }
0x281: {  	v59 =	vld [tilespmem:s18+$0x106F0];
	s0 =	rddreg [dreg:$0xa]  }
0x282: {  	v60 =	vld [tilespmem:s22+$0x106E0];
	[tilespmem:s0+$0x12680] =	vst v56  }
0x283: {  	v61 =	vld [tilespmem:s29+$0x106E0];
	[tilespmem:v0+s16+$0xFFFFFD70 ss:$0x1] =	vst.idx.msk $0xffff, v57  }
0x284: {  	[tilespmem:v0+s16+$0xFFFFFE70 ss:$0x1] =	vst.idx.msk $0xffff, v58;
	v3 =	vld [tilespmem:s11+$0x106F0]  }
0x285: {  	v1 =	vld [tilespmem:s28+$0x106F0];
	s0 =	rddreg [dreg:$0x7];
	[tilespmem:s30+$0x12680] =	vst v62  }
0x286: {  	[tilespmem:s0+$0x12680] =	vst v59  }
0x287: {  	v63 =	vld [tilespmem:s1+$0x106F0];
	[tilespmem:v0+s16+$0xFFFFFFF0 ss:$0x1] =	vst.idx.msk $0xffff, v60  }
0x288: {  	v4 =	vld [tilespmem:s22+$0x106F0];
	[tilespmem:v0+s16+$0xFFFFFCF0 ss:$0x1] =	vst.idx.msk $0xffff, v61  }
0x289: {  	[tilespmem:v0+s16+$0xFFFFFD80 ss:$0x1] =	vst.idx.msk $0xffff, v3  }
0x28a: {  	[tilespmem:v0+s16+$0xFFFFFE80 ss:$0x1] =	vst.idx.msk $0xffff, v1  }
0x28b: {  	v2 =	vld [tilespmem:s29+$0x106F0];
	s0 =	rddreg [dreg:$0x8]  }
0x28c: {  	[tilespmem:s0+$0x12680] =	vst v63  }
0x28d: {  	[tilespmem:v0+s16+$0x0 ss:$0x1] =	vst.idx.msk $0xffff, v4  }
0x28e: {  	s28 =	sld [smem:$0x7F5];
	_ =	sdelay $0x1  }
0x28f: {  	s0 =	sld [smem:$0x7F6];
	[tilespmem:v0+s16+$0xFFFFFD00 ss:$0x1] =	vst.idx.msk $0xffff, v2  }
0x290: {  	s29 =	sld [smem:$0x7FC];
	s26 =	sshll.u32 s28, $0xB;
	s28 =	sadd.s32 $0x1, s28  }
0x291: {  	s5 =	sld [smem:$0x7F9];
	p0 =	sne.s32 s28, $0x20  }
.Ltmp1:
0x292: {  	s31 =	sld [smem:$0x7F8];
	(pc) =	sbr.rel @p0 .LBB2_2-.Ltmp1, $4  }
0x293: {  	s0 =	sshll.u32 s0, $0xE;
	s1 =	sadd.s32 s26, s29;
	s26 =	sld [smem:$0x7F7]  }
0x294: {  	s30 =	simm.s32 $0x0;
	s0 =	sadd.s32 $0x12680, s0  }
0x295: {  	[hbm4b:s1+s30] =	stream.linear.scatter [tilespmem:s0], [sflag:$0x1], $0x4000, $0x38;
	[tilespmem:$0x1E680] =	vst v63  }
0x296: {  	s5 =	sadd.s32 $0x4000, s5;
	s24 =	sadd.s32 $0x4000, s31;
	s26 =	sadd.s32 $0x20, s26  }
0x297: {  	s1 =	simm.s32 $0x1  }
0x298: {  	_ =	swait.ge [sflag:s1], $0x4000  }
0x299: {  	[sflag:s1] =	ssyncset.done $0x0  }
0x29a: {  	[sflag:s1] =	ssyncadd.s32 $0xFFFFC000  }
0x29b: {  	_ =	swait.ge [sflag:s1], $0x4000  }
0x29c: {  	[sflag:s1] =	ssyncset.done $0x0  }
0x29d: {  	[sflag:s1] =	ssyncadd.s32 $0xFFFFC000  }
0x29e: {  	_ =	swait.ge [sflag:s1], $0x4000  }
0x29f: {  	s2 =	sld [smem:$0x7FA]  }
0x2a0: {  	s0 =	sld [smem:$0x7FD];
	_ =	sdelay $0x1  }
0x2a1: {  	s2 =	sadd.s32 $0x1, s2  }
0x2a2: {  	p0 =	sne.s32 s2, s0  }
.Ltmp2:
0x2a3: {  	_ = 	snop;
	(pc) =	sbr.rel @p0 .LBB2_1-.Ltmp2, $3  }
0x2a4: {  	_ =	sdelay $0x1  }
0x2a5: {  	[sflag:s1] =	ssyncset.done $0x0  }
0x2a6: {  	[sflag:s1] =	ssyncadd.s32 $0xFFFFC000  }
0x2a7: {  	_ =	sfence.sel $0x180000  }
0x2a8: {  	[bflag:$0x0] =	sbarrier.arrive $0xFFFF  }
0x2a9: {  	_ =	strace $0x90000047  }
0x2aa: {  	s0 =	stileid.u32;
	[bflag:$0x2] =	sbarrier.arrive $0xFFFF  }
0x2ab: {  	p0 =	sne.s32 s0, $0x0;
	s0 =	rddreg [dreg:$0x5]  }
0x2ac: {  	s0 =	sadd.s32 @!p0 $0x100000, s0  }
0x2ad: {  	[sflag:s0] =	ssyncadd.tile.s32 @!p0 $0x1;
	_ =	shalt  }
.Lfunc_end2:
_tile_overlayer_lowered:
.L_overlay_start_2:
0x2ae: {  	(tag) =	ssettag $0x2  }
0x2af: {  	s0 =	rddreg [dreg:$0x0];
	s2 =	stileid.u32  }
0x2b0: {  	s1 =	rddreg [dreg:$0x1];
	p0 =	sne.s32 s2, $0x0  }
0x2b1: {  	s3 =	rddreg [dreg:$0x2];
	[bflag:$0x3] =	sbarrier.arrive $0xFFFF;
	s2 =	simm.s32 @!p0 $0x1C02  }
0x2b2: {  	[timem:s3], [sflag:s2] =	dma.local @!p0 [hbm:s0], s1  }
0x2b3: {  	s0 =	simm.s32 @!p0 $0x2  }
0x2b4: {  	_ =	swait.ge @!p0 [sflag:s0], s1  }
0x2b5: {  	s1 =	ssub.s32 @!p0 $0x0, s1;
	[sflag:s0] =	ssyncset.done @!p0 $0x0  }
0x2b6: {  	[sflag:s0] =	ssyncadd.s32 @!p0 s1  }
0x2b7: {  	[bflag:$0x3] =	sbarrier.arrive $0xFFFF  }
0x2b8: {  	_ =	shalt  }

</sc_bundles>
